<compile_context>
chip_gen: v7x
topology: tpu7x:2x2x1
jax: 0.10.2.dev20260603
libtpu: 0.0.44.dev20260713+nightly
codegen_flags: <defaults>
</compile_context>

<pallas_src>
import functools

import jax
import jax.numpy as jnp
from jax import lax
from jax.experimental import pallas as pl
from jax.experimental.pallas import tpu as pltpu
import jax.experimental.pallas.tpu_sc as plsc

N = 10000
E = 320000
D = 128
C = 10

NT = 10240
DGW = 16
NC = 2
NS = 16
NW = NC * NS
BLK = 128
JA = 108
JB = 50
JMX = max(JA, JB)
EPAD = NS * (JA + JB) * BLK

ROWS_PER_TILE = NT // NS
CP = 128
ZROW = NT - CP


def _sc_aggregate(feat16, src_blk, dst_blk, aux):
    mesh = plsc.VectorSubcoreMesh(core_axis_name="c", subcore_axis_name="s")

    @functools.partial(
        pl.kernel,
        out_type=(jax.ShapeDtypeStruct((NC, NT, D), jnp.bfloat16),
                  jax.ShapeDtypeStruct((NC, NT, DGW), jnp.float32)),
        mesh=mesh,
        scratch_types=[
            pltpu.MemorySpace.VMEM_SHARED((NT, D), jnp.bfloat16),
            pltpu.MemorySpace.VMEM_SHARED((NT, DGW), jnp.float32),
            pltpu.MemorySpace.VMEM((JMX, BLK), jnp.int32),
            pltpu.MemorySpace.VMEM((JMX, BLK), jnp.int32),
            pltpu.MemorySpace.VMEM((BLK, D), jnp.bfloat16),
            pltpu.MemorySpace.VMEM((BLK, D), jnp.bfloat16),
            pltpu.MemorySpace.VMEM((BLK, DGW), jnp.float32),
            pltpu.SemaphoreType.DMA,
            pltpu.SemaphoreType.DMA,
        ],
        compiler_params=pltpu.CompilerParams(use_tc_tiling_on_sc=False),
    )
    def body(feat_hbm, src_hbm, dst_hbm, aux_hbm, acc_out, deg_out,
             acc_sh, deg_sh, src_v, dst_v, rows_a, rows_b, ones_v,
             sem_a, sem_b):
        cid = lax.axis_index("c")
        sid = lax.axis_index("s")
        wid = cid * NS + sid
        row0 = sid * ROWS_PER_TILE

        pltpu.sync_copy(feat_hbm.at[pl.ds(ZROW, CP)], rows_a)
        pltpu.sync_copy(aux_hbm.at[pl.ds(BLK, CP)], ones_v)
        for i in range(ROWS_PER_TILE // CP):
            r = row0 + i * CP
            pltpu.sync_copy(rows_a, acc_sh.at[pl.ds(r, CP)])
            pltpu.sync_copy(ones_v, deg_sh.at[pl.ds(r, CP)])

        pltpu.sync_copy(aux_hbm.at[pl.ds(0, BLK)], ones_v)
        pltpu.sync_copy(src_hbm.at[wid], src_v)
        pltpu.sync_copy(dst_hbm.at[wid], dst_v)

        plsc.subcore_barrier()

        nsteps = jnp.where(cid == 0, JA // 2, JB // 2)
        pltpu.async_copy(feat_hbm.at[src_v.at[0]], rows_a, sem_a)

        def step(t, c2):
            j = t * 2
            pltpu.make_async_copy(feat_hbm.at[src_v.at[j]], rows_a, sem_a).wait()
            pltpu.async_copy(feat_hbm.at[src_v.at[j + 1]], rows_b, sem_b)
            pltpu.sync_copy(rows_a, acc_sh.at[dst_v.at[j]], add=True)
            pltpu.sync_copy(ones_v, deg_sh.at[dst_v.at[j]], add=True)
            pltpu.make_async_copy(feat_hbm.at[src_v.at[j + 1]], rows_b, sem_b).wait()

            @pl.when(t + 1 < nsteps)
            def _next():
                pltpu.async_copy(feat_hbm.at[src_v.at[j + 2]], rows_a, sem_a)

            pltpu.sync_copy(rows_b, acc_sh.at[dst_v.at[j + 1]], add=True)
            pltpu.sync_copy(ones_v, deg_sh.at[dst_v.at[j + 1]], add=True)
            return c2

        lax.fori_loop(0, nsteps, step, 0)

        plsc.subcore_barrier()

        for i in range(ROWS_PER_TILE // CP):
            r = row0 + i * CP
            pltpu.sync_copy(acc_sh.at[pl.ds(r, CP)], rows_a)
            pltpu.sync_copy(rows_a, acc_out.at[cid, pl.ds(r, CP)])
            pltpu.sync_copy(deg_sh.at[pl.ds(r, CP)], ones_v)
            pltpu.sync_copy(ones_v, deg_out.at[cid, pl.ds(r, CP)])

    return body(feat16, src_blk, dst_blk, aux)


ROWB = 1000


def _tc_body(x_ref, p_ref, dg_ref, w_ref, wc_ref, bc_ref, out_ref, acc_ref):
    i = pl.program_id(0)

    @pl.when(i == 0)
    def _init():
        acc_ref[...] = jnp.zeros_like(acc_ref)

    x = x_ref[...]
    s = p_ref[0].astype(jnp.float32) + p_ref[1].astype(jnp.float32)
    deg = dg_ref[0, :, 0:1] + dg_ref[1, :, 0:1]
    neigh = s / jnp.clip(deg, 1.0, None)
    w = w_ref[...]
    h = x @ w[:D] + neigh @ w[D:]
    h = jnp.maximum(h, 0.0)
    acc_ref[...] += jnp.sum(h, axis=0, keepdims=True)

    @pl.when(i == pl.num_programs(0) - 1)
    def _fin():
        ge = acc_ref[...]
        scores = lax.dot_general(ge, wc_ref[...], (((1,), (1,)), ((), ())))
        out_ref[...] = scores + bc_ref[...]


def _tc_readout(x, acc, deg, W, Wc, bc2):
    grid = (N // ROWB,)
    return pl.pallas_call(
        _tc_body,
        grid=grid,
        in_specs=[
            pl.BlockSpec((ROWB, D), lambda i: (i, 0)),
            pl.BlockSpec((NC, ROWB, D), lambda i: (0, i, 0)),
            pl.BlockSpec((NC, ROWB, DGW), lambda i: (0, i, 0)),
            pl.BlockSpec((2 * D, D), lambda i: (0, 0)),
            pl.BlockSpec((C, D), lambda i: (0, 0)),
            pl.BlockSpec((1, C), lambda i: (0, 0)),
        ],
        out_specs=pl.BlockSpec((1, C), lambda i: (0, 0)),
        out_shape=jax.ShapeDtypeStruct((1, C), jnp.float32),
        scratch_shapes=[pltpu.VMEM((1, D), jnp.float32)],
    )(x, acc, deg, W, Wc, bc2)


def kernel(features, edge_index, W, Wc, bc):
    f32 = jnp.float32
    feat16 = jnp.concatenate(
        [features.astype(jnp.bfloat16),
         jnp.zeros((NT - N, D), jnp.bfloat16)], axis=0)

    aux = jnp.concatenate(
        [jnp.full((BLK, 1), 1.0, f32),
         jnp.zeros((BLK, DGW - 1), f32)], axis=1)
    aux = jnp.concatenate([aux, jnp.zeros((CP, DGW), f32)], axis=0)

    pad = EPAD - E
    src = jnp.concatenate([edge_index[0], jnp.full((pad,), N, jnp.int32)])
    dst = jnp.concatenate([edge_index[1], jnp.full((pad,), N, jnp.int32)])

    def blockify(flat):
        cut = NS * JA * BLK
        a = flat[:cut].reshape(NS, JA, BLK)
        a = jnp.pad(a, ((0, 0), (0, JMX - JA), (0, 0)))
        b = flat[cut:].reshape(NS, JB, BLK)
        b = jnp.pad(b, ((0, 0), (0, JMX - JB), (0, 0)))
        return jnp.concatenate([a, b], axis=0)

    src_blk = blockify(src)
    dst_blk = blockify(dst)

    acc, deg = _sc_aggregate(feat16, src_blk, dst_blk, aux)
    scores = _tc_readout(features, acc, deg, W, Wc, bc.reshape(1, C))
    return scores

# --- scband reference (transcript-rebuilt; emitter-appended) ---
"""Pipeline reference for scband-supervised-graph-sage-42502996361301 (READ-ONLY COPY).

The authoritative reference and input builder live on the scoring server;
editing this copy changes nothing except your own understanding.
"""

import jax, jax.numpy as jnp
import numpy as np

N = 10000
E = 320000
D = 128
C = 10


def setup_inputs(seed: int = 0) -> dict:
    key = jax.random.key(seed)
    k1, k2, k3, k4 = jax.random.split(key, 4)
    features = jax.random.normal(k1, (N, D), dtype=jnp.float32)
    edge_index = jax.random.randint(k2, (2, E), 0, N, dtype=jnp.int32)
    # GraphSAGE layer weight: concat(self, neigh_mean) -> embed_dim (xavier-ish scale)
    W = jax.random.normal(k3, (2 * D, D), dtype=jnp.float32) * jnp.sqrt(2.0 / (2 * D + D))
    # graph classifier (xavier uniform in torch; normal approx fine for reference)
    Wc = jax.random.normal(k4, (C, D), dtype=jnp.float32) * jnp.sqrt(2.0 / (C + D))
    bc = jnp.zeros((C,), dtype=jnp.float32)
    return {"features": features, "edge_index": edge_index, "W": W, "Wc": Wc, "bc": bc}


def reference(features, edge_index, W, Wc, bc):
    src = edge_index[0]
    dst = edge_index[1]
    # mean-aggregate neighbor messages (gather + scatter-add)
    msgs = jnp.take(features, src, axis=0)
    agg = jax.ops.segment_sum(msgs, dst, num_segments=N)
    deg = jax.ops.segment_sum(jnp.ones((E,), dtype=jnp.float32), dst, num_segments=N)
    neigh = agg / jnp.clip(deg, 1.0, None)[:, None]
    # GraphSAGE embed: relu(concat(self, neigh) @ W)
    embeds = jax.nn.relu(jnp.concatenate([features, neigh], axis=1) @ W)
    # sum readout over all nodes -> [1, D]
    graph_embed = jnp.sum(embeds, axis=0)[None, :]
    # linear graph classifier
    scores = graph_embed @ Wc.T + bc
    return scores

if __name__ == "__main__":
    import jax
    _d = setup_inputs()
    print(jax.jit(kernel)(*tuple(_d.values())))

</pallas_src>

<mosaic_0001>
#map = affine_map<(d0, d1) -> (0, 0)>
#map1 = affine_map<(d0, d1) -> (0, 0, 0)>
module attributes {stable_mosaic.version = 14 : i64} {
  func.func @body(%arg0: i32, %arg1: i32, %arg2: memref<10240x128xbf16, #tpu.memory_space<hbm>>, %arg3: memref<32x108x128xi32, #tpu.memory_space<hbm>>, %arg4: memref<32x108x128xi32, #tpu.memory_space<hbm>>, %arg5: memref<256x16xf32, #tpu.memory_space<hbm>>, %arg6: memref<2x10240x128xbf16, #tpu.memory_space<hbm>>, %arg7: memref<2x10240x16xf32, #tpu.memory_space<hbm>>, %arg8: memref<10240x128xbf16, #tpu.memory_space<vmem_shared>>, %arg9: memref<10240x16xf32, #tpu.memory_space<vmem_shared>>, %arg10: memref<108x128xi32, #tpu.memory_space<vmem>>, %arg11: memref<108x128xi32, #tpu.memory_space<vmem>>, %arg12: memref<128x128xbf16, #tpu.memory_space<vmem>>, %arg13: memref<128x128xbf16, #tpu.memory_space<vmem>>, %arg14: memref<128x16xf32, #tpu.memory_space<vmem>>, %arg15: memref<!tpu.dma_semaphore, #tpu.memory_space<semaphore_mem>>, %arg16: memref<!tpu.dma_semaphore, #tpu.memory_space<semaphore_mem>>) attributes {dimension_semantics = [#tpu.dimension_semantics<core_parallel>, #tpu.dimension_semantics<subcore_parallel>], iteration_bounds = array<i64: 2, 16>, scalar_prefetch = 0 : i64, scratch_operands = 9 : i64, tpu.core_type = #tpu.core_type<sc_vector_subcore>, window_params = [{transform_indices = #map}, {transform_indices = #map1}, {transform_indices = #map1}, {transform_indices = #map}, {transform_indices = #map1}, {transform_indices = #map1}]} {
    %mul3A = arith.constant 16 : i32
    %mul3A_0 = arith.muli %arg0, %mul3A : i32
    %add3A = arith.addi %mul3A_0, %arg1 : i32
    %mul3A_1 = arith.constant 640 : i32
    %mul3A_2 = arith.muli %arg1, %mul3A_1 : i32
    "tpu.region"() ({
      %run_scoped3A = tpu.sem_alloc : memref<!tpu.dma_semaphore, #tpu.memory_space<semaphore_mem>>
      %dma_start3A_41 = arith.constant 10112 : i32
      %dma_start3A_42 = arith.constant 0 : i32
      %dma_start3A_43 = tpu.memref_slice %arg2[%dma_start3A_41, %dma_start3A_42] : memref<10240x128xbf16, #tpu.memory_space<hbm>> -> memref<128x128xbf16, #tpu.memory_space<hbm>>
      %dma_start3A_44 = arith.constant 10112 : i32
      %dma_start3A_45 = arith.constant 0 : i32
      %dma_start3A_46 = tpu.memref_slice %arg2[%dma_start3A_44, %dma_start3A_45] : memref<10240x128xbf16, #tpu.memory_space<hbm>> -> memref<128x128xbf16, #tpu.memory_space<hbm>>
      tpu.enqueue_dma source(%dma_start3A_46 : memref<128x128xbf16, #tpu.memory_space<hbm>>) target(%arg12 : memref<128x128xbf16, #tpu.memory_space<vmem>>) target_semaphore(%run_scoped3A : memref<!tpu.dma_semaphore, #tpu.memory_space<semaphore_mem>>)
      %dma_wait3A = arith.constant 10112 : i32
      %dma_wait3A_47 = arith.constant 0 : i32
      %dma_wait3A_48 = tpu.memref_slice %arg2[%dma_wait3A, %dma_wait3A_47] : memref<10240x128xbf16, #tpu.memory_space<hbm>> -> memref<128x128xbf16, #tpu.memory_space<hbm>>
      %dma_wait3A_49 = arith.constant 10112 : i32
      %dma_wait3A_50 = arith.constant 0 : i32
      %dma_wait3A_51 = tpu.memref_slice %arg2[%dma_wait3A_49, %dma_wait3A_50] : memref<10240x128xbf16, #tpu.memory_space<hbm>> -> memref<128x128xbf16, #tpu.memory_space<hbm>>
      tpu.wait_dma2 semaphore(%run_scoped3A : memref<!tpu.dma_semaphore, #tpu.memory_space<semaphore_mem>>) src(%dma_wait3A_51 : memref<128x128xbf16, #tpu.memory_space<hbm>>) dst(%arg12 : memref<128x128xbf16, #tpu.memory_space<vmem>>)
      tpu.yield
    }) : () -> ()
    "tpu.region"() ({
      %run_scoped3A = tpu.sem_alloc : memref<!tpu.dma_semaphore, #tpu.memory_space<semaphore_mem>>
      %dma_start3A_41 = arith.constant 128 : i32
      %dma_start3A_42 = arith.constant 0 : i32
      %dma_start3A_43 = tpu.memref_slice %arg5[%dma_start3A_41, %dma_start3A_42] : memref<256x16xf32, #tpu.memory_space<hbm>> -> memref<128x16xf32, #tpu.memory_space<hbm>>
      %dma_start3A_44 = arith.constant 128 : i32
      %dma_start3A_45 = arith.constant 0 : i32
      %dma_start3A_46 = tpu.memref_slice %arg5[%dma_start3A_44, %dma_start3A_45] : memref<256x16xf32, #tpu.memory_space<hbm>> -> memref<128x16xf32, #tpu.memory_space<hbm>>
      tpu.enqueue_dma source(%dma_start3A_46 : memref<128x16xf32, #tpu.memory_space<hbm>>) target(%arg14 : memref<128x16xf32, #tpu.memory_space<vmem>>) target_semaphore(%run_scoped3A : memref<!tpu.dma_semaphore, #tpu.memory_space<semaphore_mem>>)
      %dma_wait3A = arith.constant 128 : i32
      %dma_wait3A_47 = arith.constant 0 : i32
      %dma_wait3A_48 = tpu.memref_slice %arg5[%dma_wait3A, %dma_wait3A_47] : memref<256x16xf32, #tpu.memory_space<hbm>> -> memref<128x16xf32, #tpu.memory_space<hbm>>
      %dma_wait3A_49 = arith.constant 128 : i32
      %dma_wait3A_50 = arith.constant 0 : i32
      %dma_wait3A_51 = tpu.memref_slice %arg5[%dma_wait3A_49, %dma_wait3A_50] : memref<256x16xf32, #tpu.memory_space<hbm>> -> memref<128x16xf32, #tpu.memory_space<hbm>>
      tpu.wait_dma2 semaphore(%run_scoped3A : memref<!tpu.dma_semaphore, #tpu.memory_space<semaphore_mem>>) src(%dma_wait3A_51 : memref<128x16xf32, #tpu.memory_space<hbm>>) dst(%arg14 : memref<128x16xf32, #tpu.memory_space<vmem>>)
      tpu.yield
    }) : () -> ()
    %add3A_3 = arith.constant 0 : i32
    %add3A_4 = arith.addi %mul3A_2, %add3A_3 : i32
    "tpu.region"() ({
      %run_scoped3A = tpu.sem_alloc : memref<!tpu.dma_semaphore, #tpu.memory_space<semaphore_mem>>
      %dma_start3A_41 = arith.constant 0 : i32
      %dma_start3A_42 = tpu.memref_slice %arg8[%add3A_4, %dma_start3A_41] : memref<10240x128xbf16, #tpu.memory_space<vmem_shared>> -> memref<128x128xbf16, #tpu.memory_space<vmem_shared>>
      %dma_start3A_43 = arith.constant 0 : i32
      %dma_start3A_44 = tpu.memref_slice %arg8[%add3A_4, %dma_start3A_43] : memref<10240x128xbf16, #tpu.memory_space<vmem_shared>> -> memref<128x128xbf16, #tpu.memory_space<vmem_shared>>
      tpu.enqueue_dma source(%arg12 : memref<128x128xbf16, #tpu.memory_space<vmem>>) target(%dma_start3A_44 : memref<128x128xbf16, #tpu.memory_space<vmem_shared>>) target_semaphore(%run_scoped3A : memref<!tpu.dma_semaphore, #tpu.memory_space<semaphore_mem>>)
      %dma_wait3A = arith.constant 0 : i32
      %dma_wait3A_45 = tpu.memref_slice %arg8[%add3A_4, %dma_wait3A] : memref<10240x128xbf16, #tpu.memory_space<vmem_shared>> -> memref<128x128xbf16, #tpu.memory_space<vmem_shared>>
      %dma_wait3A_46 = arith.constant 0 : i32
      %dma_wait3A_47 = tpu.memref_slice %arg8[%add3A_4, %dma_wait3A_46] : memref<10240x128xbf16, #tpu.memory_space<vmem_shared>> -> memref<128x128xbf16, #tpu.memory_space<vmem_shared>>
      tpu.wait_dma2 semaphore(%run_scoped3A : memref<!tpu.dma_semaphore, #tpu.memory_space<semaphore_mem>>) src(%arg12 : memref<128x128xbf16, #tpu.memory_space<vmem>>) dst(%dma_wait3A_47 : memref<128x128xbf16, #tpu.memory_space<vmem_shared>>)
      tpu.yield
    }) : () -> ()
    "tpu.region"() ({
      %run_scoped3A = tpu.sem_alloc : memref<!tpu.dma_semaphore, #tpu.memory_space<semaphore_mem>>
      %dma_start3A_41 = arith.constant 0 : i32
      %dma_start3A_42 = tpu.memref_slice %arg9[%add3A_4, %dma_start3A_41] : memref<10240x16xf32, #tpu.memory_space<vmem_shared>> -> memref<128x16xf32, #tpu.memory_space<vmem_shared>>
      %dma_start3A_43 = arith.constant 0 : i32
      %dma_start3A_44 = tpu.memref_slice %arg9[%add3A_4, %dma_start3A_43] : memref<10240x16xf32, #tpu.memory_space<vmem_shared>> -> memref<128x16xf32, #tpu.memory_space<vmem_shared>>
      tpu.enqueue_dma source(%arg14 : memref<128x16xf32, #tpu.memory_space<vmem>>) target(%dma_start3A_44 : memref<128x16xf32, #tpu.memory_space<vmem_shared>>) target_semaphore(%run_scoped3A : memref<!tpu.dma_semaphore, #tpu.memory_space<semaphore_mem>>)
      %dma_wait3A = arith.constant 0 : i32
      %dma_wait3A_45 = tpu.memref_slice %arg9[%add3A_4, %dma_wait3A] : memref<10240x16xf32, #tpu.memory_space<vmem_shared>> -> memref<128x16xf32, #tpu.memory_space<vmem_shared>>
      %dma_wait3A_46 = arith.constant 0 : i32
      %dma_wait3A_47 = tpu.memref_slice %arg9[%add3A_4, %dma_wait3A_46] : memref<10240x16xf32, #tpu.memory_space<vmem_shared>> -> memref<128x16xf32, #tpu.memory_space<vmem_shared>>
      tpu.wait_dma2 semaphore(%run_scoped3A : memref<!tpu.dma_semaphore, #tpu.memory_space<semaphore_mem>>) src(%arg14 : memref<128x16xf32, #tpu.memory_space<vmem>>) dst(%dma_wait3A_47 : memref<128x16xf32, #tpu.memory_space<vmem_shared>>)
      tpu.yield
    }) : () -> ()
    %add3A_5 = arith.constant 128 : i32
    %add3A_6 = arith.addi %mul3A_2, %add3A_5 : i32
    "tpu.region"() ({
      %run_scoped3A = tpu.sem_alloc : memref<!tpu.dma_semaphore, #tpu.memory_space<semaphore_mem>>
      %dma_start3A_41 = arith.constant 0 : i32
      %dma_start3A_42 = tpu.memref_slice %arg8[%add3A_6, %dma_start3A_41] : memref<10240x128xbf16, #tpu.memory_space<vmem_shared>> -> memref<128x128xbf16, #tpu.memory_space<vmem_shared>>
      %dma_start3A_43 = arith.constant 0 : i32
      %dma_start3A_44 = tpu.memref_slice %arg8[%add3A_6, %dma_start3A_43] : memref<10240x128xbf16, #tpu.memory_space<vmem_shared>> -> memref<128x128xbf16, #tpu.memory_space<vmem_shared>>
      tpu.enqueue_dma source(%arg12 : memref<128x128xbf16, #tpu.memory_space<vmem>>) target(%dma_start3A_44 : memref<128x128xbf16, #tpu.memory_space<vmem_shared>>) target_semaphore(%run_scoped3A : memref<!tpu.dma_semaphore, #tpu.memory_space<semaphore_mem>>)
      %dma_wait3A = arith.constant 0 : i32
      %dma_wait3A_45 = tpu.memref_slice %arg8[%add3A_6, %dma_wait3A] : memref<10240x128xbf16, #tpu.memory_space<vmem_shared>> -> memref<128x128xbf16, #tpu.memory_space<vmem_shared>>
      %dma_wait3A_46 = arith.constant 0 : i32
      %dma_wait3A_47 = tpu.memref_slice %arg8[%add3A_6, %dma_wait3A_46] : memref<10240x128xbf16, #tpu.memory_space<vmem_shared>> -> memref<128x128xbf16, #tpu.memory_space<vmem_shared>>
      tpu.wait_dma2 semaphore(%run_scoped3A : memref<!tpu.dma_semaphore, #tpu.memory_space<semaphore_mem>>) src(%arg12 : memref<128x128xbf16, #tpu.memory_space<vmem>>) dst(%dma_wait3A_47 : memref<128x128xbf16, #tpu.memory_space<vmem_shared>>)
      tpu.yield
    }) : () -> ()
    "tpu.region"() ({
      %run_scoped3A = tpu.sem_alloc : memref<!tpu.dma_semaphore, #tpu.memory_space<semaphore_mem>>
      %dma_start3A_41 = arith.constant 0 : i32
      %dma_start3A_42 = tpu.memref_slice %arg9[%add3A_6, %dma_start3A_41] : memref<10240x16xf32, #tpu.memory_space<vmem_shared>> -> memref<128x16xf32, #tpu.memory_space<vmem_shared>>
      %dma_start3A_43 = arith.constant 0 : i32
      %dma_start3A_44 = tpu.memref_slice %arg9[%add3A_6, %dma_start3A_43] : memref<10240x16xf32, #tpu.memory_space<vmem_shared>> -> memref<128x16xf32, #tpu.memory_space<vmem_shared>>
      tpu.enqueue_dma source(%arg14 : memref<128x16xf32, #tpu.memory_space<vmem>>) target(%dma_start3A_44 : memref<128x16xf32, #tpu.memory_space<vmem_shared>>) target_semaphore(%run_scoped3A : memref<!tpu.dma_semaphore, #tpu.memory_space<semaphore_mem>>)
      %dma_wait3A = arith.constant 0 : i32
      %dma_wait3A_45 = tpu.memref_slice %arg9[%add3A_6, %dma_wait3A] : memref<10240x16xf32, #tpu.memory_space<vmem_shared>> -> memref<128x16xf32, #tpu.memory_space<vmem_shared>>
      %dma_wait3A_46 = arith.constant 0 : i32
      %dma_wait3A_47 = tpu.memref_slice %arg9[%add3A_6, %dma_wait3A_46] : memref<10240x16xf32, #tpu.memory_space<vmem_shared>> -> memref<128x16xf32, #tpu.memory_space<vmem_shared>>
      tpu.wait_dma2 semaphore(%run_scoped3A : memref<!tpu.dma_semaphore, #tpu.memory_space<semaphore_mem>>) src(%arg14 : memref<128x16xf32, #tpu.memory_space<vmem>>) dst(%dma_wait3A_47 : memref<128x16xf32, #tpu.memory_space<vmem_shared>>)
      tpu.yield
    }) : () -> ()
    %add3A_7 = arith.constant 256 : i32
    %add3A_8 = arith.addi %mul3A_2, %add3A_7 : i32
    "tpu.region"() ({
      %run_scoped3A = tpu.sem_alloc : memref<!tpu.dma_semaphore, #tpu.memory_space<semaphore_mem>>
      %dma_start3A_41 = arith.constant 0 : i32
      %dma_start3A_42 = tpu.memref_slice %arg8[%add3A_8, %dma_start3A_41] : memref<10240x128xbf16, #tpu.memory_space<vmem_shared>> -> memref<128x128xbf16, #tpu.memory_space<vmem_shared>>
      %dma_start3A_43 = arith.constant 0 : i32
      %dma_start3A_44 = tpu.memref_slice %arg8[%add3A_8, %dma_start3A_43] : memref<10240x128xbf16, #tpu.memory_space<vmem_shared>> -> memref<128x128xbf16, #tpu.memory_space<vmem_shared>>
      tpu.enqueue_dma source(%arg12 : memref<128x128xbf16, #tpu.memory_space<vmem>>) target(%dma_start3A_44 : memref<128x128xbf16, #tpu.memory_space<vmem_shared>>) target_semaphore(%run_scoped3A : memref<!tpu.dma_semaphore, #tpu.memory_space<semaphore_mem>>)
      %dma_wait3A = arith.constant 0 : i32
      %dma_wait3A_45 = tpu.memref_slice %arg8[%add3A_8, %dma_wait3A] : memref<10240x128xbf16, #tpu.memory_space<vmem_shared>> -> memref<128x128xbf16, #tpu.memory_space<vmem_shared>>
      %dma_wait3A_46 = arith.constant 0 : i32
      %dma_wait3A_47 = tpu.memref_slice %arg8[%add3A_8, %dma_wait3A_46] : memref<10240x128xbf16, #tpu.memory_space<vmem_shared>> -> memref<128x128xbf16, #tpu.memory_space<vmem_shared>>
      tpu.wait_dma2 semaphore(%run_scoped3A : memref<!tpu.dma_semaphore, #tpu.memory_space<semaphore_mem>>) src(%arg12 : memref<128x128xbf16, #tpu.memory_space<vmem>>) dst(%dma_wait3A_47 : memref<128x128xbf16, #tpu.memory_space<vmem_shared>>)
      tpu.yield
    }) : () -> ()
    "tpu.region"() ({
      %run_scoped3A = tpu.sem_alloc : memref<!tpu.dma_semaphore, #tpu.memory_space<semaphore_mem>>
      %dma_start3A_41 = arith.constant 0 : i32
      %dma_start3A_42 = tpu.memref_slice %arg9[%add3A_8, %dma_start3A_41] : memref<10240x16xf32, #tpu.memory_space<vmem_shared>> -> memref<128x16xf32, #tpu.memory_space<vmem_shared>>
      %dma_start3A_43 = arith.constant 0 : i32
      %dma_start3A_44 = tpu.memref_slice %arg9[%add3A_8, %dma_start3A_43] : memref<10240x16xf32, #tpu.memory_space<vmem_shared>> -> memref<128x16xf32, #tpu.memory_space<vmem_shared>>
      tpu.enqueue_dma source(%arg14 : memref<128x16xf32, #tpu.memory_space<vmem>>) target(%dma_start3A_44 : memref<128x16xf32, #tpu.memory_space<vmem_shared>>) target_semaphore(%run_scoped3A : memref<!tpu.dma_semaphore, #tpu.memory_space<semaphore_mem>>)
      %dma_wait3A = arith.constant 0 : i32
      %dma_wait3A_45 = tpu.memref_slice %arg9[%add3A_8, %dma_wait3A] : memref<10240x16xf32, #tpu.memory_space<vmem_shared>> -> memref<128x16xf32, #tpu.memory_space<vmem_shared>>
      %dma_wait3A_46 = arith.constant 0 : i32
      %dma_wait3A_47 = tpu.memref_slice %arg9[%add3A_8, %dma_wait3A_46] : memref<10240x16xf32, #tpu.memory_space<vmem_shared>> -> memref<128x16xf32, #tpu.memory_space<vmem_shared>>
      tpu.wait_dma2 semaphore(%run_scoped3A : memref<!tpu.dma_semaphore, #tpu.memory_space<semaphore_mem>>) src(%arg14 : memref<128x16xf32, #tpu.memory_space<vmem>>) dst(%dma_wait3A_47 : memref<128x16xf32, #tpu.memory_space<vmem_shared>>)
      tpu.yield
    }) : () -> ()
    %add3A_9 = arith.constant 384 : i32
    %add3A_10 = arith.addi %mul3A_2, %add3A_9 : i32
    "tpu.region"() ({
      %run_scoped3A = tpu.sem_alloc : memref<!tpu.dma_semaphore, #tpu.memory_space<semaphore_mem>>
      %dma_start3A_41 = arith.constant 0 : i32
      %dma_start3A_42 = tpu.memref_slice %arg8[%add3A_10, %dma_start3A_41] : memref<10240x128xbf16, #tpu.memory_space<vmem_shared>> -> memref<128x128xbf16, #tpu.memory_space<vmem_shared>>
      %dma_start3A_43 = arith.constant 0 : i32
      %dma_start3A_44 = tpu.memref_slice %arg8[%add3A_10, %dma_start3A_43] : memref<10240x128xbf16, #tpu.memory_space<vmem_shared>> -> memref<128x128xbf16, #tpu.memory_space<vmem_shared>>
      tpu.enqueue_dma source(%arg12 : memref<128x128xbf16, #tpu.memory_space<vmem>>) target(%dma_start3A_44 : memref<128x128xbf16, #tpu.memory_space<vmem_shared>>) target_semaphore(%run_scoped3A : memref<!tpu.dma_semaphore, #tpu.memory_space<semaphore_mem>>)
      %dma_wait3A = arith.constant 0 : i32
      %dma_wait3A_45 = tpu.memref_slice %arg8[%add3A_10, %dma_wait3A] : memref<10240x128xbf16, #tpu.memory_space<vmem_shared>> -> memref<128x128xbf16, #tpu.memory_space<vmem_shared>>
      %dma_wait3A_46 = arith.constant 0 : i32
      %dma_wait3A_47 = tpu.memref_slice %arg8[%add3A_10, %dma_wait3A_46] : memref<10240x128xbf16, #tpu.memory_space<vmem_shared>> -> memref<128x128xbf16, #tpu.memory_space<vmem_shared>>
      tpu.wait_dma2 semaphore(%run_scoped3A : memref<!tpu.dma_semaphore, #tpu.memory_space<semaphore_mem>>) src(%arg12 : memref<128x128xbf16, #tpu.memory_space<vmem>>) dst(%dma_wait3A_47 : memref<128x128xbf16, #tpu.memory_space<vmem_shared>>)
      tpu.yield
    }) : () -> ()
    "tpu.region"() ({
      %run_scoped3A = tpu.sem_alloc : memref<!tpu.dma_semaphore, #tpu.memory_space<semaphore_mem>>
      %dma_start3A_41 = arith.constant 0 : i32
      %dma_start3A_42 = tpu.memref_slice %arg9[%add3A_10, %dma_start3A_41] : memref<10240x16xf32, #tpu.memory_space<vmem_shared>> -> memref<128x16xf32, #tpu.memory_space<vmem_shared>>
      %dma_start3A_43 = arith.constant 0 : i32
      %dma_start3A_44 = tpu.memref_slice %arg9[%add3A_10, %dma_start3A_43] : memref<10240x16xf32, #tpu.memory_space<vmem_shared>> -> memref<128x16xf32, #tpu.memory_space<vmem_shared>>
      tpu.enqueue_dma source(%arg14 : memref<128x16xf32, #tpu.memory_space<vmem>>) target(%dma_start3A_44 : memref<128x16xf32, #tpu.memory_space<vmem_shared>>) target_semaphore(%run_scoped3A : memref<!tpu.dma_semaphore, #tpu.memory_space<semaphore_mem>>)
      %dma_wait3A = arith.constant 0 : i32
      %dma_wait3A_45 = tpu.memref_slice %arg9[%add3A_10, %dma_wait3A] : memref<10240x16xf32, #tpu.memory_space<vmem_shared>> -> memref<128x16xf32, #tpu.memory_space<vmem_shared>>
      %dma_wait3A_46 = arith.constant 0 : i32
      %dma_wait3A_47 = tpu.memref_slice %arg9[%add3A_10, %dma_wait3A_46] : memref<10240x16xf32, #tpu.memory_space<vmem_shared>> -> memref<128x16xf32, #tpu.memory_space<vmem_shared>>
      tpu.wait_dma2 semaphore(%run_scoped3A : memref<!tpu.dma_semaphore, #tpu.memory_space<semaphore_mem>>) src(%arg14 : memref<128x16xf32, #tpu.memory_space<vmem>>) dst(%dma_wait3A_47 : memref<128x16xf32, #tpu.memory_space<vmem_shared>>)
      tpu.yield
    }) : () -> ()
    %add3A_11 = arith.constant 512 : i32
    %add3A_12 = arith.addi %mul3A_2, %add3A_11 : i32
    "tpu.region"() ({
      %run_scoped3A = tpu.sem_alloc : memref<!tpu.dma_semaphore, #tpu.memory_space<semaphore_mem>>
      %dma_start3A_41 = arith.constant 0 : i32
      %dma_start3A_42 = tpu.memref_slice %arg8[%add3A_12, %dma_start3A_41] : memref<10240x128xbf16, #tpu.memory_space<vmem_shared>> -> memref<128x128xbf16, #tpu.memory_space<vmem_shared>>
      %dma_start3A_43 = arith.constant 0 : i32
      %dma_start3A_44 = tpu.memref_slice %arg8[%add3A_12, %dma_start3A_43] : memref<10240x128xbf16, #tpu.memory_space<vmem_shared>> -> memref<128x128xbf16, #tpu.memory_space<vmem_shared>>
      tpu.enqueue_dma source(%arg12 : memref<128x128xbf16, #tpu.memory_space<vmem>>) target(%dma_start3A_44 : memref<128x128xbf16, #tpu.memory_space<vmem_shared>>) target_semaphore(%run_scoped3A : memref<!tpu.dma_semaphore, #tpu.memory_space<semaphore_mem>>)
      %dma_wait3A = arith.constant 0 : i32
      %dma_wait3A_45 = tpu.memref_slice %arg8[%add3A_12, %dma_wait3A] : memref<10240x128xbf16, #tpu.memory_space<vmem_shared>> -> memref<128x128xbf16, #tpu.memory_space<vmem_shared>>
      %dma_wait3A_46 = arith.constant 0 : i32
      %dma_wait3A_47 = tpu.memref_slice %arg8[%add3A_12, %dma_wait3A_46] : memref<10240x128xbf16, #tpu.memory_space<vmem_shared>> -> memref<128x128xbf16, #tpu.memory_space<vmem_shared>>
      tpu.wait_dma2 semaphore(%run_scoped3A : memref<!tpu.dma_semaphore, #tpu.memory_space<semaphore_mem>>) src(%arg12 : memref<128x128xbf16, #tpu.memory_space<vmem>>) dst(%dma_wait3A_47 : memref<128x128xbf16, #tpu.memory_space<vmem_shared>>)
      tpu.yield
    }) : () -> ()
    "tpu.region"() ({
      %run_scoped3A = tpu.sem_alloc : memref<!tpu.dma_semaphore, #tpu.memory_space<semaphore_mem>>
      %dma_start3A_41 = arith.constant 0 : i32
      %dma_start3A_42 = tpu.memref_slice %arg9[%add3A_12, %dma_start3A_41] : memref<10240x16xf32, #tpu.memory_space<vmem_shared>> -> memref<128x16xf32, #tpu.memory_space<vmem_shared>>
      %dma_start3A_43 = arith.constant 0 : i32
      %dma_start3A_44 = tpu.memref_slice %arg9[%add3A_12, %dma_start3A_43] : memref<10240x16xf32, #tpu.memory_space<vmem_shared>> -> memref<128x16xf32, #tpu.memory_space<vmem_shared>>
      tpu.enqueue_dma source(%arg14 : memref<128x16xf32, #tpu.memory_space<vmem>>) target(%dma_start3A_44 : memref<128x16xf32, #tpu.memory_space<vmem_shared>>) target_semaphore(%run_scoped3A : memref<!tpu.dma_semaphore, #tpu.memory_space<semaphore_mem>>)
      %dma_wait3A = arith.constant 0 : i32
      %dma_wait3A_45 = tpu.memref_slice %arg9[%add3A_12, %dma_wait3A] : memref<10240x16xf32, #tpu.memory_space<vmem_shared>> -> memref<128x16xf32, #tpu.memory_space<vmem_shared>>
      %dma_wait3A_46 = arith.constant 0 : i32
      %dma_wait3A_47 = tpu.memref_slice %arg9[%add3A_12, %dma_wait3A_46] : memref<10240x16xf32, #tpu.memory_space<vmem_shared>> -> memref<128x16xf32, #tpu.memory_space<vmem_shared>>
      tpu.wait_dma2 semaphore(%run_scoped3A : memref<!tpu.dma_semaphore, #tpu.memory_space<semaphore_mem>>) src(%arg14 : memref<128x16xf32, #tpu.memory_space<vmem>>) dst(%dma_wait3A_47 : memref<128x16xf32, #tpu.memory_space<vmem_shared>>)
      tpu.yield
    }) : () -> ()
    "tpu.region"() ({
      %run_scoped3A = tpu.sem_alloc : memref<!tpu.dma_semaphore, #tpu.memory_space<semaphore_mem>>
      %dma_start3A_41 = arith.constant 0 : i32
      %dma_start3A_42 = arith.constant 0 : i32
      %dma_start3A_43 = tpu.memref_slice %arg5[%dma_start3A_41, %dma_start3A_42] : memref<256x16xf32, #tpu.memory_space<hbm>> -> memref<128x16xf32, #tpu.memory_space<hbm>>
      %dma_start3A_44 = arith.constant 0 : i32
      %dma_start3A_45 = arith.constant 0 : i32
      %dma_start3A_46 = tpu.memref_slice %arg5[%dma_start3A_44, %dma_start3A_45] : memref<256x16xf32, #tpu.memory_space<hbm>> -> memref<128x16xf32, #tpu.memory_space<hbm>>
      tpu.enqueue_dma source(%dma_start3A_46 : memref<128x16xf32, #tpu.memory_space<hbm>>) target(%arg14 : memref<128x16xf32, #tpu.memory_space<vmem>>) target_semaphore(%run_scoped3A : memref<!tpu.dma_semaphore, #tpu.memory_space<semaphore_mem>>)
      %dma_wait3A = arith.constant 0 : i32
      %dma_wait3A_47 = arith.constant 0 : i32
      %dma_wait3A_48 = tpu.memref_slice %arg5[%dma_wait3A, %dma_wait3A_47] : memref<256x16xf32, #tpu.memory_space<hbm>> -> memref<128x16xf32, #tpu.memory_space<hbm>>
      %dma_wait3A_49 = arith.constant 0 : i32
      %dma_wait3A_50 = arith.constant 0 : i32
      %dma_wait3A_51 = tpu.memref_slice %arg5[%dma_wait3A_49, %dma_wait3A_50] : memref<256x16xf32, #tpu.memory_space<hbm>> -> memref<128x16xf32, #tpu.memory_space<hbm>>
      tpu.wait_dma2 semaphore(%run_scoped3A : memref<!tpu.dma_semaphore, #tpu.memory_space<semaphore_mem>>) src(%dma_wait3A_51 : memref<128x16xf32, #tpu.memory_space<hbm>>) dst(%arg14 : memref<128x16xf32, #tpu.memory_space<vmem>>)
      tpu.yield
    }) : () -> ()
    "tpu.region"() ({
      %run_scoped3A = tpu.sem_alloc : memref<!tpu.dma_semaphore, #tpu.memory_space<semaphore_mem>>
      %dma_start3A_41 = arith.constant 0 : i32
      %dma_start3A_42 = arith.constant 0 : i32
      %dma_start3A_43 = tpu.memref_slice %arg3[%add3A, %dma_start3A_41, %dma_start3A_42] : memref<32x108x128xi32, #tpu.memory_space<hbm>> -> memref<1x108x128xi32, #tpu.memory_space<hbm>>
      %dma_start3A_44 = tpu.memref_squeeze %dma_start3A_43 : memref<1x108x128xi32, #tpu.memory_space<hbm>> -> memref<108x128xi32, #tpu.memory_space<hbm>>
      %dma_start3A_45 = arith.constant 0 : i32
      %dma_start3A_46 = arith.constant 0 : i32
      %dma_start3A_47 = tpu.memref_slice %arg3[%add3A, %dma_start3A_45, %dma_start3A_46] : memref<32x108x128xi32, #tpu.memory_space<hbm>> -> memref<1x108x128xi32, #tpu.memory_space<hbm>>
      %dma_start3A_48 = tpu.memref_squeeze %dma_start3A_47 : memref<1x108x128xi32, #tpu.memory_space<hbm>> -> memref<108x128xi32, #tpu.memory_space<hbm>>
      tpu.enqueue_dma source(%dma_start3A_48 : memref<108x128xi32, #tpu.memory_space<hbm>>) target(%arg10 : memref<108x128xi32, #tpu.memory_space<vmem>>) target_semaphore(%run_scoped3A : memref<!tpu.dma_semaphore, #tpu.memory_space<semaphore_mem>>)
      %dma_wait3A = arith.constant 0 : i32
      %dma_wait3A_49 = arith.constant 0 : i32
      %dma_wait3A_50 = tpu.memref_slice %arg3[%add3A, %dma_wait3A, %dma_wait3A_49] : memref<32x108x128xi32, #tpu.memory_space<hbm>> -> memref<1x108x128xi32, #tpu.memory_space<hbm>>
      %dma_wait3A_51 = tpu.memref_squeeze %dma_wait3A_50 : memref<1x108x128xi32, #tpu.memory_space<hbm>> -> memref<108x128xi32, #tpu.memory_space<hbm>>
      %dma_wait3A_52 = arith.constant 0 : i32
      %dma_wait3A_53 = arith.constant 0 : i32
      %dma_wait3A_54 = tpu.memref_slice %arg3[%add3A, %dma_wait3A_52, %dma_wait3A_53] : memref<32x108x128xi32, #tpu.memory_space<hbm>> -> memref<1x108x128xi32, #tpu.memory_space<hbm>>
      %dma_wait3A_55 = tpu.memref_squeeze %dma_wait3A_54 : memref<1x108x128xi32, #tpu.memory_space<hbm>> -> memref<108x128xi32, #tpu.memory_space<hbm>>
      tpu.wait_dma2 semaphore(%run_scoped3A : memref<!tpu.dma_semaphore, #tpu.memory_space<semaphore_mem>>) src(%dma_wait3A_55 : memref<108x128xi32, #tpu.memory_space<hbm>>) dst(%arg10 : memref<108x128xi32, #tpu.memory_space<vmem>>)
      tpu.yield
    }) : () -> ()
    "tpu.region"() ({
      %run_scoped3A = tpu.sem_alloc : memref<!tpu.dma_semaphore, #tpu.memory_space<semaphore_mem>>
      %dma_start3A_41 = arith.constant 0 : i32
      %dma_start3A_42 = arith.constant 0 : i32
      %dma_start3A_43 = tpu.memref_slice %arg4[%add3A, %dma_start3A_41, %dma_start3A_42] : memref<32x108x128xi32, #tpu.memory_space<hbm>> -> memref<1x108x128xi32, #tpu.memory_space<hbm>>
      %dma_start3A_44 = tpu.memref_squeeze %dma_start3A_43 : memref<1x108x128xi32, #tpu.memory_space<hbm>> -> memref<108x128xi32, #tpu.memory_space<hbm>>
      %dma_start3A_45 = arith.constant 0 : i32
      %dma_start3A_46 = arith.constant 0 : i32
      %dma_start3A_47 = tpu.memref_slice %arg4[%add3A, %dma_start3A_45, %dma_start3A_46] : memref<32x108x128xi32, #tpu.memory_space<hbm>> -> memref<1x108x128xi32, #tpu.memory_space<hbm>>
      %dma_start3A_48 = tpu.memref_squeeze %dma_start3A_47 : memref<1x108x128xi32, #tpu.memory_space<hbm>> -> memref<108x128xi32, #tpu.memory_space<hbm>>
      tpu.enqueue_dma source(%dma_start3A_48 : memref<108x128xi32, #tpu.memory_space<hbm>>) target(%arg11 : memref<108x128xi32, #tpu.memory_space<vmem>>) target_semaphore(%run_scoped3A : memref<!tpu.dma_semaphore, #tpu.memory_space<semaphore_mem>>)
      %dma_wait3A = arith.constant 0 : i32
      %dma_wait3A_49 = arith.constant 0 : i32
      %dma_wait3A_50 = tpu.memref_slice %arg4[%add3A, %dma_wait3A, %dma_wait3A_49] : memref<32x108x128xi32, #tpu.memory_space<hbm>> -> memref<1x108x128xi32, #tpu.memory_space<hbm>>
      %dma_wait3A_51 = tpu.memref_squeeze %dma_wait3A_50 : memref<1x108x128xi32, #tpu.memory_space<hbm>> -> memref<108x128xi32, #tpu.memory_space<hbm>>
      %dma_wait3A_52 = arith.constant 0 : i32
      %dma_wait3A_53 = arith.constant 0 : i32
      %dma_wait3A_54 = tpu.memref_slice %arg4[%add3A, %dma_wait3A_52, %dma_wait3A_53] : memref<32x108x128xi32, #tpu.memory_space<hbm>> -> memref<1x108x128xi32, #tpu.memory_space<hbm>>
      %dma_wait3A_55 = tpu.memref_squeeze %dma_wait3A_54 : memref<1x108x128xi32, #tpu.memory_space<hbm>> -> memref<108x128xi32, #tpu.memory_space<hbm>>
      tpu.wait_dma2 semaphore(%run_scoped3A : memref<!tpu.dma_semaphore, #tpu.memory_space<semaphore_mem>>) src(%dma_wait3A_55 : memref<108x128xi32, #tpu.memory_space<hbm>>) dst(%arg11 : memref<108x128xi32, #tpu.memory_space<vmem>>)
      tpu.yield
    }) : () -> ()
    %barrier3A = arith.constant 0 : index
    tpu.barrier barrier_id(%barrier3A)
    %eq3A = arith.constant 0 : i32
    %eq3A_13 = arith.cmpi eq, %arg0, %eq3A : i32
    %jit3A = arith.constant 54 : i32
    %jit3A_14 = arith.constant 25 : i32
    %select_n3A = arith.select %eq3A_13, %jit3A, %jit3A_14 : i32
    %dma_start3A = arith.constant 0 : i32
    %dma_start3A_15 = arith.constant 0 : i32
    %dma_start3A_16 = tpu.memref_slice %arg10[%dma_start3A, %dma_start3A_15] : memref<108x128xi32, #tpu.memory_space<vmem>> -> memref<1x128xi32, #tpu.memory_space<vmem>>
    %dma_start3A_17 = tpu.memref_squeeze %dma_start3A_16 : memref<1x128xi32, #tpu.memory_space<vmem>> -> memref<128xi32, #tpu.memory_space<vmem>>
    %dma_start3A_18 = arith.constant 0 : i32
    %dma_start3A_19 = arith.constant 0 : i32
    %dma_start3A_20 = tpu.memref_slice %arg2[%dma_start3A_18, %dma_start3A_19] : memref<10240x128xbf16, #tpu.memory_space<hbm>> -> memref<10240x128xbf16, #tpu.memory_space<hbm>>
    tpu.enqueue_indirect_dma source(%dma_start3A_20 : memref<10240x128xbf16, #tpu.memory_space<hbm>>) target(%arg12 : memref<128x128xbf16, #tpu.memory_space<vmem>>) offsets(%dma_start3A_17 : memref<128xi32, #tpu.memory_space<vmem>>) semaphore(%arg15 : memref<!tpu.dma_semaphore, #tpu.memory_space<semaphore_mem>>)
    %while3A = arith.constant 0 : i32
    %while3A_21 = arith.constant 0 : i32
    %while3A_22 = arith.subi %select_n3A, %while3A_21 : i32
    %while3A_23 = arith.addi %while3A_21, %while3A_22 : i32
    %while3A_24 = arith.constant 1 : i32
    %while3A_25 = arith.divsi %while3A_22, %while3A_24 : i32
    %while3A_26 = arith.muli %while3A_25, %while3A_24 : i32
    %while3A_27 = arith.addi %while3A_21, %while3A_26 : i32
    %while3A_28 = arith.constant 1 : i32
    scf.for %while3A_41 = %while3A_21 to %while3A_27 step %while3A_28  : i32 {
      %mul3A_42 = arith.constant 2 : i32
      %mul3A_43 = arith.muli %while3A_41, %mul3A_42 : i32
      %dma_wait3A = arith.constant 0 : i32
      %dma_wait3A_44 = tpu.memref_slice %arg10[%mul3A_43, %dma_wait3A] : memref<108x128xi32, #tpu.memory_space<vmem>> -> memref<1x128xi32, #tpu.memory_space<vmem>>
      %dma_wait3A_45 = tpu.memref_squeeze %dma_wait3A_44 : memref<1x128xi32, #tpu.memory_space<vmem>> -> memref<128xi32, #tpu.memory_space<vmem>>
      %dma_wait3A_46 = arith.constant 0 : i32
      %dma_wait3A_47 = arith.constant 0 : i32
      %dma_wait3A_48 = tpu.memref_slice %arg2[%dma_wait3A_46, %dma_wait3A_47] : memref<10240x128xbf16, #tpu.memory_space<hbm>> -> memref<10240x128xbf16, #tpu.memory_space<hbm>>
      tpu.wait_indirect_dma semaphore(%arg15 : memref<!tpu.dma_semaphore, #tpu.memory_space<semaphore_mem>>) src(%dma_wait3A_48 : memref<10240x128xbf16, #tpu.memory_space<hbm>>) dst(%arg12 : memref<128x128xbf16, #tpu.memory_space<vmem>>)
      %add3A_49 = arith.constant 1 : i32
      %add3A_50 = arith.addi %mul3A_43, %add3A_49 : i32
      %dma_start3A_51 = arith.constant 0 : i32
      %dma_start3A_52 = tpu.memref_slice %arg10[%add3A_50, %dma_start3A_51] : memref<108x128xi32, #tpu.memory_space<vmem>> -> memref<1x128xi32, #tpu.memory_space<vmem>>
      %dma_start3A_53 = tpu.memref_squeeze %dma_start3A_52 : memref<1x128xi32, #tpu.memory_space<vmem>> -> memref<128xi32, #tpu.memory_space<vmem>>
      %dma_start3A_54 = arith.constant 0 : i32
      %dma_start3A_55 = arith.constant 0 : i32
      %dma_start3A_56 = tpu.memref_slice %arg2[%dma_start3A_54, %dma_start3A_55] : memref<10240x128xbf16, #tpu.memory_space<hbm>> -> memref<10240x128xbf16, #tpu.memory_space<hbm>>
      tpu.enqueue_indirect_dma source(%dma_start3A_56 : memref<10240x128xbf16, #tpu.memory_space<hbm>>) target(%arg13 : memref<128x128xbf16, #tpu.memory_space<vmem>>) offsets(%dma_start3A_53 : memref<128xi32, #tpu.memory_space<vmem>>) semaphore(%arg16 : memref<!tpu.dma_semaphore, #tpu.memory_space<semaphore_mem>>)
      "tpu.region"() ({
        %run_scoped3A = tpu.sem_alloc : memref<!tpu.dma_semaphore, #tpu.memory_space<semaphore_mem>>
        %dma_start3A_72 = arith.constant 0 : i32
        %dma_start3A_73 = tpu.memref_slice %arg11[%mul3A_43, %dma_start3A_72] : memref<108x128xi32, #tpu.memory_space<vmem>> -> memref<1x128xi32, #tpu.memory_space<vmem>>
        %dma_start3A_74 = tpu.memref_squeeze %dma_start3A_73 : memref<1x128xi32, #tpu.memory_space<vmem>> -> memref<128xi32, #tpu.memory_space<vmem>>
        %dma_start3A_75 = arith.constant 0 : i32
        %dma_start3A_76 = arith.constant 0 : i32
        %dma_start3A_77 = tpu.memref_slice %arg8[%dma_start3A_75, %dma_start3A_76] : memref<10240x128xbf16, #tpu.memory_space<vmem_shared>> -> memref<10240x128xbf16, #tpu.memory_space<vmem_shared>>
        tpu.enqueue_indirect_dma source(%arg12 : memref<128x128xbf16, #tpu.memory_space<vmem>>) target(%dma_start3A_77 : memref<10240x128xbf16, #tpu.memory_space<vmem_shared>>) offsets(%dma_start3A_74 : memref<128xi32, #tpu.memory_space<vmem>>) semaphore(%run_scoped3A : memref<!tpu.dma_semaphore, #tpu.memory_space<semaphore_mem>>) {add = true}
        %dma_wait3A_78 = arith.constant 0 : i32
        %dma_wait3A_79 = tpu.memref_slice %arg11[%mul3A_43, %dma_wait3A_78] : memref<108x128xi32, #tpu.memory_space<vmem>> -> memref<1x128xi32, #tpu.memory_space<vmem>>
        %dma_wait3A_80 = tpu.memref_squeeze %dma_wait3A_79 : memref<1x128xi32, #tpu.memory_space<vmem>> -> memref<128xi32, #tpu.memory_space<vmem>>
        %dma_wait3A_81 = arith.constant 0 : i32
        %dma_wait3A_82 = arith.constant 0 : i32
        %dma_wait3A_83 = tpu.memref_slice %arg8[%dma_wait3A_81, %dma_wait3A_82] : memref<10240x128xbf16, #tpu.memory_space<vmem_shared>> -> memref<10240x128xbf16, #tpu.memory_space<vmem_shared>>
        tpu.wait_indirect_dma semaphore(%run_scoped3A : memref<!tpu.dma_semaphore, #tpu.memory_space<semaphore_mem>>) src(%arg12 : memref<128x128xbf16, #tpu.memory_space<vmem>>) dst(%dma_wait3A_83 : memref<10240x128xbf16, #tpu.memory_space<vmem_shared>>)
        tpu.yield
      }) : () -> ()
      "tpu.region"() ({
        %run_scoped3A = tpu.sem_alloc : memref<!tpu.dma_semaphore, #tpu.memory_space<semaphore_mem>>
        %dma_start3A_72 = arith.constant 0 : i32
        %dma_start3A_73 = tpu.memref_slice %arg11[%mul3A_43, %dma_start3A_72] : memref<108x128xi32, #tpu.memory_space<vmem>> -> memref<1x128xi32, #tpu.memory_space<vmem>>
        %dma_start3A_74 = tpu.memref_squeeze %dma_start3A_73 : memref<1x128xi32, #tpu.memory_space<vmem>> -> memref<128xi32, #tpu.memory_space<vmem>>
        %dma_start3A_75 = arith.constant 0 : i32
        %dma_start3A_76 = arith.constant 0 : i32
        %dma_start3A_77 = tpu.memref_slice %arg9[%dma_start3A_75, %dma_start3A_76] : memref<10240x16xf32, #tpu.memory_space<vmem_shared>> -> memref<10240x16xf32, #tpu.memory_space<vmem_shared>>
        tpu.enqueue_indirect_dma source(%arg14 : memref<128x16xf32, #tpu.memory_space<vmem>>) target(%dma_start3A_77 : memref<10240x16xf32, #tpu.memory_space<vmem_shared>>) offsets(%dma_start3A_74 : memref<128xi32, #tpu.memory_space<vmem>>) semaphore(%run_scoped3A : memref<!tpu.dma_semaphore, #tpu.memory_space<semaphore_mem>>) {add = true}
        %dma_wait3A_78 = arith.constant 0 : i32
        %dma_wait3A_79 = tpu.memref_slice %arg11[%mul3A_43, %dma_wait3A_78] : memref<108x128xi32, #tpu.memory_space<vmem>> -> memref<1x128xi32, #tpu.memory_space<vmem>>
        %dma_wait3A_80 = tpu.memref_squeeze %dma_wait3A_79 : memref<1x128xi32, #tpu.memory_space<vmem>> -> memref<128xi32, #tpu.memory_space<vmem>>
        %dma_wait3A_81 = arith.constant 0 : i32
        %dma_wait3A_82 = arith.constant 0 : i32
        %dma_wait3A_83 = tpu.memref_slice %arg9[%dma_wait3A_81, %dma_wait3A_82] : memref<10240x16xf32, #tpu.memory_space<vmem_shared>> -> memref<10240x16xf32, #tpu.memory_space<vmem_shared>>
        tpu.wait_indirect_dma semaphore(%run_scoped3A : memref<!tpu.dma_semaphore, #tpu.memory_space<semaphore_mem>>) src(%arg14 : memref<128x16xf32, #tpu.memory_space<vmem>>) dst(%dma_wait3A_83 : memref<10240x16xf32, #tpu.memory_space<vmem_shared>>)
        tpu.yield
      }) : () -> ()
      %add3A_57 = arith.constant 1 : i32
      %add3A_58 = arith.addi %mul3A_43, %add3A_57 : i32
      %dma_wait3A_59 = arith.constant 0 : i32
      %dma_wait3A_60 = tpu.memref_slice %arg10[%add3A_58, %dma_wait3A_59] : memref<108x128xi32, #tpu.memory_space<vmem>> -> memref<1x128xi32, #tpu.memory_space<vmem>>
      %dma_wait3A_61 = tpu.memref_squeeze %dma_wait3A_60 : memref<1x128xi32, #tpu.memory_space<vmem>> -> memref<128xi32, #tpu.memory_space<vmem>>
      %dma_wait3A_62 = arith.constant 0 : i32
      %dma_wait3A_63 = arith.constant 0 : i32
      %dma_wait3A_64 = tpu.memref_slice %arg2[%dma_wait3A_62, %dma_wait3A_63] : memref<10240x128xbf16, #tpu.memory_space<hbm>> -> memref<10240x128xbf16, #tpu.memory_space<hbm>>
      tpu.wait_indirect_dma semaphore(%arg16 : memref<!tpu.dma_semaphore, #tpu.memory_space<semaphore_mem>>) src(%dma_wait3A_64 : memref<10240x128xbf16, #tpu.memory_space<hbm>>) dst(%arg13 : memref<128x128xbf16, #tpu.memory_space<vmem>>)
      %add3A_65 = arith.constant 1 : i32
      %add3A_66 = arith.addi %while3A_41, %add3A_65 : i32
      %lt3A = arith.cmpi slt, %add3A_66, %select_n3A : i32
      %convert_element_type3A = arith.extui %lt3A : i1 to i32
      %cond3A = arith.constant 0 : i32
      %cond3A_67 = arith.cmpi ne, %convert_element_type3A, %cond3A : i32
      scf.if %cond3A_67 {
        %add3A_72 = arith.constant 2 : i32
        %add3A_73 = arith.addi %mul3A_43, %add3A_72 : i32
        %dma_start3A_74 = arith.constant 0 : i32
        %dma_start3A_75 = tpu.memref_slice %arg10[%add3A_73, %dma_start3A_74] : memref<108x128xi32, #tpu.memory_space<vmem>> -> memref<1x128xi32, #tpu.memory_space<vmem>>
        %dma_start3A_76 = tpu.memref_squeeze %dma_start3A_75 : memref<1x128xi32, #tpu.memory_space<vmem>> -> memref<128xi32, #tpu.memory_space<vmem>>
        %dma_start3A_77 = arith.constant 0 : i32
        %dma_start3A_78 = arith.constant 0 : i32
        %dma_start3A_79 = tpu.memref_slice %arg2[%dma_start3A_77, %dma_start3A_78] : memref<10240x128xbf16, #tpu.memory_space<hbm>> -> memref<10240x128xbf16, #tpu.memory_space<hbm>>
        tpu.enqueue_indirect_dma source(%dma_start3A_79 : memref<10240x128xbf16, #tpu.memory_space<hbm>>) target(%arg12 : memref<128x128xbf16, #tpu.memory_space<vmem>>) offsets(%dma_start3A_76 : memref<128xi32, #tpu.memory_space<vmem>>) semaphore(%arg15 : memref<!tpu.dma_semaphore, #tpu.memory_space<semaphore_mem>>)
      } else {
      }
      %add3A_68 = arith.constant 1 : i32
      %add3A_69 = arith.addi %mul3A_43, %add3A_68 : i32
      "tpu.region"() ({
        %run_scoped3A = tpu.sem_alloc : memref<!tpu.dma_semaphore, #tpu.memory_space<semaphore_mem>>
        %dma_start3A_72 = arith.constant 0 : i32
        %dma_start3A_73 = tpu.memref_slice %arg11[%add3A_69, %dma_start3A_72] : memref<108x128xi32, #tpu.memory_space<vmem>> -> memref<1x128xi32, #tpu.memory_space<vmem>>
        %dma_start3A_74 = tpu.memref_squeeze %dma_start3A_73 : memref<1x128xi32, #tpu.memory_space<vmem>> -> memref<128xi32, #tpu.memory_space<vmem>>
        %dma_start3A_75 = arith.constant 0 : i32
        %dma_start3A_76 = arith.constant 0 : i32
        %dma_start3A_77 = tpu.memref_slice %arg8[%dma_start3A_75, %dma_start3A_76] : memref<10240x128xbf16, #tpu.memory_space<vmem_shared>> -> memref<10240x128xbf16, #tpu.memory_space<vmem_shared>>
        tpu.enqueue_indirect_dma source(%arg13 : memref<128x128xbf16, #tpu.memory_space<vmem>>) target(%dma_start3A_77 : memref<10240x128xbf16, #tpu.memory_space<vmem_shared>>) offsets(%dma_start3A_74 : memref<128xi32, #tpu.memory_space<vmem>>) semaphore(%run_scoped3A : memref<!tpu.dma_semaphore, #tpu.memory_space<semaphore_mem>>) {add = true}
        %dma_wait3A_78 = arith.constant 0 : i32
        %dma_wait3A_79 = tpu.memref_slice %arg11[%add3A_69, %dma_wait3A_78] : memref<108x128xi32, #tpu.memory_space<vmem>> -> memref<1x128xi32, #tpu.memory_space<vmem>>
        %dma_wait3A_80 = tpu.memref_squeeze %dma_wait3A_79 : memref<1x128xi32, #tpu.memory_space<vmem>> -> memref<128xi32, #tpu.memory_space<vmem>>
        %dma_wait3A_81 = arith.constant 0 : i32
        %dma_wait3A_82 = arith.constant 0 : i32
        %dma_wait3A_83 = tpu.memref_slice %arg8[%dma_wait3A_81, %dma_wait3A_82] : memref<10240x128xbf16, #tpu.memory_space<vmem_shared>> -> memref<10240x128xbf16, #tpu.memory_space<vmem_shared>>
        tpu.wait_indirect_dma semaphore(%run_scoped3A : memref<!tpu.dma_semaphore, #tpu.memory_space<semaphore_mem>>) src(%arg13 : memref<128x128xbf16, #tpu.memory_space<vmem>>) dst(%dma_wait3A_83 : memref<10240x128xbf16, #tpu.memory_space<vmem_shared>>)
        tpu.yield
      }) : () -> ()
      %add3A_70 = arith.constant 1 : i32
      %add3A_71 = arith.addi %mul3A_43, %add3A_70 : i32
      "tpu.region"() ({
        %run_scoped3A = tpu.sem_alloc : memref<!tpu.dma_semaphore, #tpu.memory_space<semaphore_mem>>
        %dma_start3A_72 = arith.constant 0 : i32
        %dma_start3A_73 = tpu.memref_slice %arg11[%add3A_71, %dma_start3A_72] : memref<108x128xi32, #tpu.memory_space<vmem>> -> memref<1x128xi32, #tpu.memory_space<vmem>>
        %dma_start3A_74 = tpu.memref_squeeze %dma_start3A_73 : memref<1x128xi32, #tpu.memory_space<vmem>> -> memref<128xi32, #tpu.memory_space<vmem>>
        %dma_start3A_75 = arith.constant 0 : i32
        %dma_start3A_76 = arith.constant 0 : i32
        %dma_start3A_77 = tpu.memref_slice %arg9[%dma_start3A_75, %dma_start3A_76] : memref<10240x16xf32, #tpu.memory_space<vmem_shared>> -> memref<10240x16xf32, #tpu.memory_space<vmem_shared>>
        tpu.enqueue_indirect_dma source(%arg14 : memref<128x16xf32, #tpu.memory_space<vmem>>) target(%dma_start3A_77 : memref<10240x16xf32, #tpu.memory_space<vmem_shared>>) offsets(%dma_start3A_74 : memref<128xi32, #tpu.memory_space<vmem>>) semaphore(%run_scoped3A : memref<!tpu.dma_semaphore, #tpu.memory_space<semaphore_mem>>) {add = true}
        %dma_wait3A_78 = arith.constant 0 : i32
        %dma_wait3A_79 = tpu.memref_slice %arg11[%add3A_71, %dma_wait3A_78] : memref<108x128xi32, #tpu.memory_space<vmem>> -> memref<1x128xi32, #tpu.memory_space<vmem>>
        %dma_wait3A_80 = tpu.memref_squeeze %dma_wait3A_79 : memref<1x128xi32, #tpu.memory_space<vmem>> -> memref<128xi32, #tpu.memory_space<vmem>>
        %dma_wait3A_81 = arith.constant 0 : i32
        %dma_wait3A_82 = arith.constant 0 : i32
        %dma_wait3A_83 = tpu.memref_slice %arg9[%dma_wait3A_81, %dma_wait3A_82] : memref<10240x16xf32, #tpu.memory_space<vmem_shared>> -> memref<10240x16xf32, #tpu.memory_space<vmem_shared>>
        tpu.wait_indirect_dma semaphore(%run_scoped3A : memref<!tpu.dma_semaphore, #tpu.memory_space<semaphore_mem>>) src(%arg14 : memref<128x16xf32, #tpu.memory_space<vmem>>) dst(%dma_wait3A_83 : memref<10240x16xf32, #tpu.memory_space<vmem_shared>>)
        tpu.yield
      }) : () -> ()
    }
    %while3A_29 = arith.constant 1 : i32
    scf.for %while3A_41 = %while3A_27 to %while3A_23 step %while3A_29  : i32 {
      %mul3A_42 = arith.constant 2 : i32
      %mul3A_43 = arith.muli %while3A_41, %mul3A_42 : i32
      %dma_wait3A = arith.constant 0 : i32
      %dma_wait3A_44 = tpu.memref_slice %arg10[%mul3A_43, %dma_wait3A] : memref<108x128xi32, #tpu.memory_space<vmem>> -> memref<1x128xi32, #tpu.memory_space<vmem>>
      %dma_wait3A_45 = tpu.memref_squeeze %dma_wait3A_44 : memref<1x128xi32, #tpu.memory_space<vmem>> -> memref<128xi32, #tpu.memory_space<vmem>>
      %dma_wait3A_46 = arith.constant 0 : i32
      %dma_wait3A_47 = arith.constant 0 : i32
      %dma_wait3A_48 = tpu.memref_slice %arg2[%dma_wait3A_46, %dma_wait3A_47] : memref<10240x128xbf16, #tpu.memory_space<hbm>> -> memref<10240x128xbf16, #tpu.memory_space<hbm>>
      tpu.wait_indirect_dma semaphore(%arg15 : memref<!tpu.dma_semaphore, #tpu.memory_space<semaphore_mem>>) src(%dma_wait3A_48 : memref<10240x128xbf16, #tpu.memory_space<hbm>>) dst(%arg12 : memref<128x128xbf16, #tpu.memory_space<vmem>>)
      %add3A_49 = arith.constant 1 : i32
      %add3A_50 = arith.addi %mul3A_43, %add3A_49 : i32
      %dma_start3A_51 = arith.constant 0 : i32
      %dma_start3A_52 = tpu.memref_slice %arg10[%add3A_50, %dma_start3A_51] : memref<108x128xi32, #tpu.memory_space<vmem>> -> memref<1x128xi32, #tpu.memory_space<vmem>>
      %dma_start3A_53 = tpu.memref_squeeze %dma_start3A_52 : memref<1x128xi32, #tpu.memory_space<vmem>> -> memref<128xi32, #tpu.memory_space<vmem>>
      %dma_start3A_54 = arith.constant 0 : i32
      %dma_start3A_55 = arith.constant 0 : i32
      %dma_start3A_56 = tpu.memref_slice %arg2[%dma_start3A_54, %dma_start3A_55] : memref<10240x128xbf16, #tpu.memory_space<hbm>> -> memref<10240x128xbf16, #tpu.memory_space<hbm>>
      tpu.enqueue_indirect_dma source(%dma_start3A_56 : memref<10240x128xbf16, #tpu.memory_space<hbm>>) target(%arg13 : memref<128x128xbf16, #tpu.memory_space<vmem>>) offsets(%dma_start3A_53 : memref<128xi32, #tpu.memory_space<vmem>>) semaphore(%arg16 : memref<!tpu.dma_semaphore, #tpu.memory_space<semaphore_mem>>)
      "tpu.region"() ({
        %run_scoped3A = tpu.sem_alloc : memref<!tpu.dma_semaphore, #tpu.memory_space<semaphore_mem>>
        %dma_start3A_72 = arith.constant 0 : i32
        %dma_start3A_73 = tpu.memref_slice %arg11[%mul3A_43, %dma_start3A_72] : memref<108x128xi32, #tpu.memory_space<vmem>> -> memref<1x128xi32, #tpu.memory_space<vmem>>
        %dma_start3A_74 = tpu.memref_squeeze %dma_start3A_73 : memref<1x128xi32, #tpu.memory_space<vmem>> -> memref<128xi32, #tpu.memory_space<vmem>>
        %dma_start3A_75 = arith.constant 0 : i32
        %dma_start3A_76 = arith.constant 0 : i32
        %dma_start3A_77 = tpu.memref_slice %arg8[%dma_start3A_75, %dma_start3A_76] : memref<10240x128xbf16, #tpu.memory_space<vmem_shared>> -> memref<10240x128xbf16, #tpu.memory_space<vmem_shared>>
        tpu.enqueue_indirect_dma source(%arg12 : memref<128x128xbf16, #tpu.memory_space<vmem>>) target(%dma_start3A_77 : memref<10240x128xbf16, #tpu.memory_space<vmem_shared>>) offsets(%dma_start3A_74 : memref<128xi32, #tpu.memory_space<vmem>>) semaphore(%run_scoped3A : memref<!tpu.dma_semaphore, #tpu.memory_space<semaphore_mem>>) {add = true}
        %dma_wait3A_78 = arith.constant 0 : i32
        %dma_wait3A_79 = tpu.memref_slice %arg11[%mul3A_43, %dma_wait3A_78] : memref<108x128xi32, #tpu.memory_space<vmem>> -> memref<1x128xi32, #tpu.memory_space<vmem>>
        %dma_wait3A_80 = tpu.memref_squeeze %dma_wait3A_79 : memref<1x128xi32, #tpu.memory_space<vmem>> -> memref<128xi32, #tpu.memory_space<vmem>>
        %dma_wait3A_81 = arith.constant 0 : i32
        %dma_wait3A_82 = arith.constant 0 : i32
        %dma_wait3A_83 = tpu.memref_slice %arg8[%dma_wait3A_81, %dma_wait3A_82] : memref<10240x128xbf16, #tpu.memory_space<vmem_shared>> -> memref<10240x128xbf16, #tpu.memory_space<vmem_shared>>
        tpu.wait_indirect_dma semaphore(%run_scoped3A : memref<!tpu.dma_semaphore, #tpu.memory_space<semaphore_mem>>) src(%arg12 : memref<128x128xbf16, #tpu.memory_space<vmem>>) dst(%dma_wait3A_83 : memref<10240x128xbf16, #tpu.memory_space<vmem_shared>>)
        tpu.yield
      }) : () -> ()
      "tpu.region"() ({
        %run_scoped3A = tpu.sem_alloc : memref<!tpu.dma_semaphore, #tpu.memory_space<semaphore_mem>>
        %dma_start3A_72 = arith.constant 0 : i32
        %dma_start3A_73 = tpu.memref_slice %arg11[%mul3A_43, %dma_start3A_72] : memref<108x128xi32, #tpu.memory_space<vmem>> -> memref<1x128xi32, #tpu.memory_space<vmem>>
        %dma_start3A_74 = tpu.memref_squeeze %dma_start3A_73 : memref<1x128xi32, #tpu.memory_space<vmem>> -> memref<128xi32, #tpu.memory_space<vmem>>
        %dma_start3A_75 = arith.constant 0 : i32
        %dma_start3A_76 = arith.constant 0 : i32
        %dma_start3A_77 = tpu.memref_slice %arg9[%dma_start3A_75, %dma_start3A_76] : memref<10240x16xf32, #tpu.memory_space<vmem_shared>> -> memref<10240x16xf32, #tpu.memory_space<vmem_shared>>
        tpu.enqueue_indirect_dma source(%arg14 : memref<128x16xf32, #tpu.memory_space<vmem>>) target(%dma_start3A_77 : memref<10240x16xf32, #tpu.memory_space<vmem_shared>>) offsets(%dma_start3A_74 : memref<128xi32, #tpu.memory_space<vmem>>) semaphore(%run_scoped3A : memref<!tpu.dma_semaphore, #tpu.memory_space<semaphore_mem>>) {add = true}
        %dma_wait3A_78 = arith.constant 0 : i32
        %dma_wait3A_79 = tpu.memref_slice %arg11[%mul3A_43, %dma_wait3A_78] : memref<108x128xi32, #tpu.memory_space<vmem>> -> memref<1x128xi32, #tpu.memory_space<vmem>>
        %dma_wait3A_80 = tpu.memref_squeeze %dma_wait3A_79 : memref<1x128xi32, #tpu.memory_space<vmem>> -> memref<128xi32, #tpu.memory_space<vmem>>
        %dma_wait3A_81 = arith.constant 0 : i32
        %dma_wait3A_82 = arith.constant 0 : i32
        %dma_wait3A_83 = tpu.memref_slice %arg9[%dma_wait3A_81, %dma_wait3A_82] : memref<10240x16xf32, #tpu.memory_space<vmem_shared>> -> memref<10240x16xf32, #tpu.memory_space<vmem_shared>>
        tpu.wait_indirect_dma semaphore(%run_scoped3A : memref<!tpu.dma_semaphore, #tpu.memory_space<semaphore_mem>>) src(%arg14 : memref<128x16xf32, #tpu.memory_space<vmem>>) dst(%dma_wait3A_83 : memref<10240x16xf32, #tpu.memory_space<vmem_shared>>)
        tpu.yield
      }) : () -> ()
      %add3A_57 = arith.constant 1 : i32
      %add3A_58 = arith.addi %mul3A_43, %add3A_57 : i32
      %dma_wait3A_59 = arith.constant 0 : i32
      %dma_wait3A_60 = tpu.memref_slice %arg10[%add3A_58, %dma_wait3A_59] : memref<108x128xi32, #tpu.memory_space<vmem>> -> memref<1x128xi32, #tpu.memory_space<vmem>>
      %dma_wait3A_61 = tpu.memref_squeeze %dma_wait3A_60 : memref<1x128xi32, #tpu.memory_space<vmem>> -> memref<128xi32, #tpu.memory_space<vmem>>
      %dma_wait3A_62 = arith.constant 0 : i32
      %dma_wait3A_63 = arith.constant 0 : i32
      %dma_wait3A_64 = tpu.memref_slice %arg2[%dma_wait3A_62, %dma_wait3A_63] : memref<10240x128xbf16, #tpu.memory_space<hbm>> -> memref<10240x128xbf16, #tpu.memory_space<hbm>>
      tpu.wait_indirect_dma semaphore(%arg16 : memref<!tpu.dma_semaphore, #tpu.memory_space<semaphore_mem>>) src(%dma_wait3A_64 : memref<10240x128xbf16, #tpu.memory_space<hbm>>) dst(%arg13 : memref<128x128xbf16, #tpu.memory_space<vmem>>)
      %add3A_65 = arith.constant 1 : i32
      %add3A_66 = arith.addi %while3A_41, %add3A_65 : i32
      %lt3A = arith.cmpi slt, %add3A_66, %select_n3A : i32
      %convert_element_type3A = arith.extui %lt3A : i1 to i32
      %cond3A = arith.constant 0 : i32
      %cond3A_67 = arith.cmpi ne, %convert_element_type3A, %cond3A : i32
      scf.if %cond3A_67 {
        %add3A_72 = arith.constant 2 : i32
        %add3A_73 = arith.addi %mul3A_43, %add3A_72 : i32
        %dma_start3A_74 = arith.constant 0 : i32
        %dma_start3A_75 = tpu.memref_slice %arg10[%add3A_73, %dma_start3A_74] : memref<108x128xi32, #tpu.memory_space<vmem>> -> memref<1x128xi32, #tpu.memory_space<vmem>>
        %dma_start3A_76 = tpu.memref_squeeze %dma_start3A_75 : memref<1x128xi32, #tpu.memory_space<vmem>> -> memref<128xi32, #tpu.memory_space<vmem>>
        %dma_start3A_77 = arith.constant 0 : i32
        %dma_start3A_78 = arith.constant 0 : i32
        %dma_start3A_79 = tpu.memref_slice %arg2[%dma_start3A_77, %dma_start3A_78] : memref<10240x128xbf16, #tpu.memory_space<hbm>> -> memref<10240x128xbf16, #tpu.memory_space<hbm>>
        tpu.enqueue_indirect_dma source(%dma_start3A_79 : memref<10240x128xbf16, #tpu.memory_space<hbm>>) target(%arg12 : memref<128x128xbf16, #tpu.memory_space<vmem>>) offsets(%dma_start3A_76 : memref<128xi32, #tpu.memory_space<vmem>>) semaphore(%arg15 : memref<!tpu.dma_semaphore, #tpu.memory_space<semaphore_mem>>)
      } else {
      }
      %add3A_68 = arith.constant 1 : i32
      %add3A_69 = arith.addi %mul3A_43, %add3A_68 : i32
      "tpu.region"() ({
        %run_scoped3A = tpu.sem_alloc : memref<!tpu.dma_semaphore, #tpu.memory_space<semaphore_mem>>
        %dma_start3A_72 = arith.constant 0 : i32
        %dma_start3A_73 = tpu.memref_slice %arg11[%add3A_69, %dma_start3A_72] : memref<108x128xi32, #tpu.memory_space<vmem>> -> memref<1x128xi32, #tpu.memory_space<vmem>>
        %dma_start3A_74 = tpu.memref_squeeze %dma_start3A_73 : memref<1x128xi32, #tpu.memory_space<vmem>> -> memref<128xi32, #tpu.memory_space<vmem>>
        %dma_start3A_75 = arith.constant 0 : i32
        %dma_start3A_76 = arith.constant 0 : i32
        %dma_start3A_77 = tpu.memref_slice %arg8[%dma_start3A_75, %dma_start3A_76] : memref<10240x128xbf16, #tpu.memory_space<vmem_shared>> -> memref<10240x128xbf16, #tpu.memory_space<vmem_shared>>
        tpu.enqueue_indirect_dma source(%arg13 : memref<128x128xbf16, #tpu.memory_space<vmem>>) target(%dma_start3A_77 : memref<10240x128xbf16, #tpu.memory_space<vmem_shared>>) offsets(%dma_start3A_74 : memref<128xi32, #tpu.memory_space<vmem>>) semaphore(%run_scoped3A : memref<!tpu.dma_semaphore, #tpu.memory_space<semaphore_mem>>) {add = true}
        %dma_wait3A_78 = arith.constant 0 : i32
        %dma_wait3A_79 = tpu.memref_slice %arg11[%add3A_69, %dma_wait3A_78] : memref<108x128xi32, #tpu.memory_space<vmem>> -> memref<1x128xi32, #tpu.memory_space<vmem>>
        %dma_wait3A_80 = tpu.memref_squeeze %dma_wait3A_79 : memref<1x128xi32, #tpu.memory_space<vmem>> -> memref<128xi32, #tpu.memory_space<vmem>>
        %dma_wait3A_81 = arith.constant 0 : i32
        %dma_wait3A_82 = arith.constant 0 : i32
        %dma_wait3A_83 = tpu.memref_slice %arg8[%dma_wait3A_81, %dma_wait3A_82] : memref<10240x128xbf16, #tpu.memory_space<vmem_shared>> -> memref<10240x128xbf16, #tpu.memory_space<vmem_shared>>
        tpu.wait_indirect_dma semaphore(%run_scoped3A : memref<!tpu.dma_semaphore, #tpu.memory_space<semaphore_mem>>) src(%arg13 : memref<128x128xbf16, #tpu.memory_space<vmem>>) dst(%dma_wait3A_83 : memref<10240x128xbf16, #tpu.memory_space<vmem_shared>>)
        tpu.yield
      }) : () -> ()
      %add3A_70 = arith.constant 1 : i32
      %add3A_71 = arith.addi %mul3A_43, %add3A_70 : i32
      "tpu.region"() ({
        %run_scoped3A = tpu.sem_alloc : memref<!tpu.dma_semaphore, #tpu.memory_space<semaphore_mem>>
        %dma_start3A_72 = arith.constant 0 : i32
        %dma_start3A_73 = tpu.memref_slice %arg11[%add3A_71, %dma_start3A_72] : memref<108x128xi32, #tpu.memory_space<vmem>> -> memref<1x128xi32, #tpu.memory_space<vmem>>
        %dma_start3A_74 = tpu.memref_squeeze %dma_start3A_73 : memref<1x128xi32, #tpu.memory_space<vmem>> -> memref<128xi32, #tpu.memory_space<vmem>>
        %dma_start3A_75 = arith.constant 0 : i32
        %dma_start3A_76 = arith.constant 0 : i32
        %dma_start3A_77 = tpu.memref_slice %arg9[%dma_start3A_75, %dma_start3A_76] : memref<10240x16xf32, #tpu.memory_space<vmem_shared>> -> memref<10240x16xf32, #tpu.memory_space<vmem_shared>>
        tpu.enqueue_indirect_dma source(%arg14 : memref<128x16xf32, #tpu.memory_space<vmem>>) target(%dma_start3A_77 : memref<10240x16xf32, #tpu.memory_space<vmem_shared>>) offsets(%dma_start3A_74 : memref<128xi32, #tpu.memory_space<vmem>>) semaphore(%run_scoped3A : memref<!tpu.dma_semaphore, #tpu.memory_space<semaphore_mem>>) {add = true}
        %dma_wait3A_78 = arith.constant 0 : i32
        %dma_wait3A_79 = tpu.memref_slice %arg11[%add3A_71, %dma_wait3A_78] : memref<108x128xi32, #tpu.memory_space<vmem>> -> memref<1x128xi32, #tpu.memory_space<vmem>>
        %dma_wait3A_80 = tpu.memref_squeeze %dma_wait3A_79 : memref<1x128xi32, #tpu.memory_space<vmem>> -> memref<128xi32, #tpu.memory_space<vmem>>
        %dma_wait3A_81 = arith.constant 0 : i32
        %dma_wait3A_82 = arith.constant 0 : i32
        %dma_wait3A_83 = tpu.memref_slice %arg9[%dma_wait3A_81, %dma_wait3A_82] : memref<10240x16xf32, #tpu.memory_space<vmem_shared>> -> memref<10240x16xf32, #tpu.memory_space<vmem_shared>>
        tpu.wait_indirect_dma semaphore(%run_scoped3A : memref<!tpu.dma_semaphore, #tpu.memory_space<semaphore_mem>>) src(%arg14 : memref<128x16xf32, #tpu.memory_space<vmem>>) dst(%dma_wait3A_83 : memref<10240x16xf32, #tpu.memory_space<vmem_shared>>)
        tpu.yield
      }) : () -> ()
    }
    %barrier3A_30 = arith.constant 0 : index
    tpu.barrier barrier_id(%barrier3A_30)
    %add3A_31 = arith.constant 0 : i32
    %add3A_32 = arith.addi %mul3A_2, %add3A_31 : i32
    "tpu.region"() ({
      %run_scoped3A = tpu.sem_alloc : memref<!tpu.dma_semaphore, #tpu.memory_space<semaphore_mem>>
      %dma_start3A_41 = arith.constant 0 : i32
      %dma_start3A_42 = tpu.memref_slice %arg8[%add3A_32, %dma_start3A_41] : memref<10240x128xbf16, #tpu.memory_space<vmem_shared>> -> memref<128x128xbf16, #tpu.memory_space<vmem_shared>>
      %dma_start3A_43 = arith.constant 0 : i32
      %dma_start3A_44 = tpu.memref_slice %arg8[%add3A_32, %dma_start3A_43] : memref<10240x128xbf16, #tpu.memory_space<vmem_shared>> -> memref<128x128xbf16, #tpu.memory_space<vmem_shared>>
      tpu.enqueue_dma source(%dma_start3A_44 : memref<128x128xbf16, #tpu.memory_space<vmem_shared>>) target(%arg12 : memref<128x128xbf16, #tpu.memory_space<vmem>>) target_semaphore(%run_scoped3A : memref<!tpu.dma_semaphore, #tpu.memory_space<semaphore_mem>>)
      %dma_wait3A = arith.constant 0 : i32
      %dma_wait3A_45 = tpu.memref_slice %arg8[%add3A_32, %dma_wait3A] : memref<10240x128xbf16, #tpu.memory_space<vmem_shared>> -> memref<128x128xbf16, #tpu.memory_space<vmem_shared>>
      %dma_wait3A_46 = arith.constant 0 : i32
      %dma_wait3A_47 = tpu.memref_slice %arg8[%add3A_32, %dma_wait3A_46] : memref<10240x128xbf16, #tpu.memory_space<vmem_shared>> -> memref<128x128xbf16, #tpu.memory_space<vmem_shared>>
      tpu.wait_dma2 semaphore(%run_scoped3A : memref<!tpu.dma_semaphore, #tpu.memory_space<semaphore_mem>>) src(%dma_wait3A_47 : memref<128x128xbf16, #tpu.memory_space<vmem_shared>>) dst(%arg12 : memref<128x128xbf16, #tpu.memory_space<vmem>>)
      tpu.yield
    }) : () -> ()
    "tpu.region"() ({
      %run_scoped3A = tpu.sem_alloc : memref<!tpu.dma_semaphore, #tpu.memory_space<semaphore_mem>>
      %dma_start3A_41 = arith.constant 0 : i32
      %dma_start3A_42 = tpu.memref_slice %arg6[%arg0, %add3A_32, %dma_start3A_41] : memref<2x10240x128xbf16, #tpu.memory_space<hbm>> -> memref<1x128x128xbf16, #tpu.memory_space<hbm>>
      %dma_start3A_43 = tpu.memref_squeeze %dma_start3A_42 : memref<1x128x128xbf16, #tpu.memory_space<hbm>> -> memref<128x128xbf16, #tpu.memory_space<hbm>>
      %dma_start3A_44 = arith.constant 0 : i32
      %dma_start3A_45 = tpu.memref_slice %arg6[%arg0, %add3A_32, %dma_start3A_44] : memref<2x10240x128xbf16, #tpu.memory_space<hbm>> -> memref<1x128x128xbf16, #tpu.memory_space<hbm>>
      %dma_start3A_46 = tpu.memref_squeeze %dma_start3A_45 : memref<1x128x128xbf16, #tpu.memory_space<hbm>> -> memref<128x128xbf16, #tpu.memory_space<hbm>>
      tpu.enqueue_dma source(%arg12 : memref<128x128xbf16, #tpu.memory_space<vmem>>) target(%dma_start3A_46 : memref<128x128xbf16, #tpu.memory_space<hbm>>) target_semaphore(%run_scoped3A : memref<!tpu.dma_semaphore, #tpu.memory_space<semaphore_mem>>)
      %dma_wait3A = arith.constant 0 : i32
      %dma_wait3A_47 = tpu.memref_slice %arg6[%arg0, %add3A_32, %dma_wait3A] : memref<2x10240x128xbf16, #tpu.memory_space<hbm>> -> memref<1x128x128xbf16, #tpu.memory_space<hbm>>
      %dma_wait3A_48 = tpu.memref_squeeze %dma_wait3A_47 : memref<1x128x128xbf16, #tpu.memory_space<hbm>> -> memref<128x128xbf16, #tpu.memory_space<hbm>>
      %dma_wait3A_49 = arith.constant 0 : i32
      %dma_wait3A_50 = tpu.memref_slice %arg6[%arg0, %add3A_32, %dma_wait3A_49] : memref<2x10240x128xbf16, #tpu.memory_space<hbm>> -> memref<1x128x128xbf16, #tpu.memory_space<hbm>>
      %dma_wait3A_51 = tpu.memref_squeeze %dma_wait3A_50 : memref<1x128x128xbf16, #tpu.memory_space<hbm>> -> memref<128x128xbf16, #tpu.memory_space<hbm>>
      tpu.wait_dma2 semaphore(%run_scoped3A : memref<!tpu.dma_semaphore, #tpu.memory_space<semaphore_mem>>) src(%arg12 : memref<128x128xbf16, #tpu.memory_space<vmem>>) dst(%dma_wait3A_51 : memref<128x128xbf16, #tpu.memory_space<hbm>>)
      tpu.yield
    }) : () -> ()
    "tpu.region"() ({
      %run_scoped3A = tpu.sem_alloc : memref<!tpu.dma_semaphore, #tpu.memory_space<semaphore_mem>>
      %dma_start3A_41 = arith.constant 0 : i32
      %dma_start3A_42 = tpu.memref_slice %arg9[%add3A_32, %dma_start3A_41] : memref<10240x16xf32, #tpu.memory_space<vmem_shared>> -> memref<128x16xf32, #tpu.memory_space<vmem_shared>>
      %dma_start3A_43 = arith.constant 0 : i32
      %dma_start3A_44 = tpu.memref_slice %arg9[%add3A_32, %dma_start3A_43] : memref<10240x16xf32, #tpu.memory_space<vmem_shared>> -> memref<128x16xf32, #tpu.memory_space<vmem_shared>>
      tpu.enqueue_dma source(%dma_start3A_44 : memref<128x16xf32, #tpu.memory_space<vmem_shared>>) target(%arg14 : memref<128x16xf32, #tpu.memory_space<vmem>>) target_semaphore(%run_scoped3A : memref<!tpu.dma_semaphore, #tpu.memory_space<semaphore_mem>>)
      %dma_wait3A = arith.constant 0 : i32
      %dma_wait3A_45 = tpu.memref_slice %arg9[%add3A_32, %dma_wait3A] : memref<10240x16xf32, #tpu.memory_space<vmem_shared>> -> memref<128x16xf32, #tpu.memory_space<vmem_shared>>
      %dma_wait3A_46 = arith.constant 0 : i32
      %dma_wait3A_47 = tpu.memref_slice %arg9[%add3A_32, %dma_wait3A_46] : memref<10240x16xf32, #tpu.memory_space<vmem_shared>> -> memref<128x16xf32, #tpu.memory_space<vmem_shared>>
      tpu.wait_dma2 semaphore(%run_scoped3A : memref<!tpu.dma_semaphore, #tpu.memory_space<semaphore_mem>>) src(%dma_wait3A_47 : memref<128x16xf32, #tpu.memory_space<vmem_shared>>) dst(%arg14 : memref<128x16xf32, #tpu.memory_space<vmem>>)
      tpu.yield
    }) : () -> ()
    "tpu.region"() ({
      %run_scoped3A = tpu.sem_alloc : memref<!tpu.dma_semaphore, #tpu.memory_space<semaphore_mem>>
      %dma_start3A_41 = arith.constant 0 : i32
      %dma_start3A_42 = tpu.memref_slice %arg7[%arg0, %add3A_32, %dma_start3A_41] : memref<2x10240x16xf32, #tpu.memory_space<hbm>> -> memref<1x128x16xf32, #tpu.memory_space<hbm>>
      %dma_start3A_43 = tpu.memref_squeeze %dma_start3A_42 : memref<1x128x16xf32, #tpu.memory_space<hbm>> -> memref<128x16xf32, #tpu.memory_space<hbm>>
      %dma_start3A_44 = arith.constant 0 : i32
      %dma_start3A_45 = tpu.memref_slice %arg7[%arg0, %add3A_32, %dma_start3A_44] : memref<2x10240x16xf32, #tpu.memory_space<hbm>> -> memref<1x128x16xf32, #tpu.memory_space<hbm>>
      %dma_start3A_46 = tpu.memref_squeeze %dma_start3A_45 : memref<1x128x16xf32, #tpu.memory_space<hbm>> -> memref<128x16xf32, #tpu.memory_space<hbm>>
      tpu.enqueue_dma source(%arg14 : memref<128x16xf32, #tpu.memory_space<vmem>>) target(%dma_start3A_46 : memref<128x16xf32, #tpu.memory_space<hbm>>) target_semaphore(%run_scoped3A : memref<!tpu.dma_semaphore, #tpu.memory_space<semaphore_mem>>)
      %dma_wait3A = arith.constant 0 : i32
      %dma_wait3A_47 = tpu.memref_slice %arg7[%arg0, %add3A_32, %dma_wait3A] : memref<2x10240x16xf32, #tpu.memory_space<hbm>> -> memref<1x128x16xf32, #tpu.memory_space<hbm>>
      %dma_wait3A_48 = tpu.memref_squeeze %dma_wait3A_47 : memref<1x128x16xf32, #tpu.memory_space<hbm>> -> memref<128x16xf32, #tpu.memory_space<hbm>>
      %dma_wait3A_49 = arith.constant 0 : i32
      %dma_wait3A_50 = tpu.memref_slice %arg7[%arg0, %add3A_32, %dma_wait3A_49] : memref<2x10240x16xf32, #tpu.memory_space<hbm>> -> memref<1x128x16xf32, #tpu.memory_space<hbm>>
      %dma_wait3A_51 = tpu.memref_squeeze %dma_wait3A_50 : memref<1x128x16xf32, #tpu.memory_space<hbm>> -> memref<128x16xf32, #tpu.memory_space<hbm>>
      tpu.wait_dma2 semaphore(%run_scoped3A : memref<!tpu.dma_semaphore, #tpu.memory_space<semaphore_mem>>) src(%arg14 : memref<128x16xf32, #tpu.memory_space<vmem>>) dst(%dma_wait3A_51 : memref<128x16xf32, #tpu.memory_space<hbm>>)
      tpu.yield
    }) : () -> ()
    %add3A_33 = arith.constant 128 : i32
    %add3A_34 = arith.addi %mul3A_2, %add3A_33 : i32
    "tpu.region"() ({
      %run_scoped3A = tpu.sem_alloc : memref<!tpu.dma_semaphore, #tpu.memory_space<semaphore_mem>>
      %dma_start3A_41 = arith.constant 0 : i32
      %dma_start3A_42 = tpu.memref_slice %arg8[%add3A_34, %dma_start3A_41] : memref<10240x128xbf16, #tpu.memory_space<vmem_shared>> -> memref<128x128xbf16, #tpu.memory_space<vmem_shared>>
      %dma_start3A_43 = arith.constant 0 : i32
      %dma_start3A_44 = tpu.memref_slice %arg8[%add3A_34, %dma_start3A_43] : memref<10240x128xbf16, #tpu.memory_space<vmem_shared>> -> memref<128x128xbf16, #tpu.memory_space<vmem_shared>>
      tpu.enqueue_dma source(%dma_start3A_44 : memref<128x128xbf16, #tpu.memory_space<vmem_shared>>) target(%arg12 : memref<128x128xbf16, #tpu.memory_space<vmem>>) target_semaphore(%run_scoped3A : memref<!tpu.dma_semaphore, #tpu.memory_space<semaphore_mem>>)
      %dma_wait3A = arith.constant 0 : i32
      %dma_wait3A_45 = tpu.memref_slice %arg8[%add3A_34, %dma_wait3A] : memref<10240x128xbf16, #tpu.memory_space<vmem_shared>> -> memref<128x128xbf16, #tpu.memory_space<vmem_shared>>
      %dma_wait3A_46 = arith.constant 0 : i32
      %dma_wait3A_47 = tpu.memref_slice %arg8[%add3A_34, %dma_wait3A_46] : memref<10240x128xbf16, #tpu.memory_space<vmem_shared>> -> memref<128x128xbf16, #tpu.memory_space<vmem_shared>>
      tpu.wait_dma2 semaphore(%run_scoped3A : memref<!tpu.dma_semaphore, #tpu.memory_space<semaphore_mem>>) src(%dma_wait3A_47 : memref<128x128xbf16, #tpu.memory_space<vmem_shared>>) dst(%arg12 : memref<128x128xbf16, #tpu.memory_space<vmem>>)
      tpu.yield
    }) : () -> ()
    "tpu.region"() ({
      %run_scoped3A = tpu.sem_alloc : memref<!tpu.dma_semaphore, #tpu.memory_space<semaphore_mem>>
      %dma_start3A_41 = arith.constant 0 : i32
      %dma_start3A_42 = tpu.memref_slice %arg6[%arg0, %add3A_34, %dma_start3A_41] : memref<2x10240x128xbf16, #tpu.memory_space<hbm>> -> memref<1x128x128xbf16, #tpu.memory_space<hbm>>
      %dma_start3A_43 = tpu.memref_squeeze %dma_start3A_42 : memref<1x128x128xbf16, #tpu.memory_space<hbm>> -> memref<128x128xbf16, #tpu.memory_space<hbm>>
      %dma_start3A_44 = arith.constant 0 : i32
      %dma_start3A_45 = tpu.memref_slice %arg6[%arg0, %add3A_34, %dma_start3A_44] : memref<2x10240x128xbf16, #tpu.memory_space<hbm>> -> memref<1x128x128xbf16, #tpu.memory_space<hbm>>
      %dma_start3A_46 = tpu.memref_squeeze %dma_start3A_45 : memref<1x128x128xbf16, #tpu.memory_space<hbm>> -> memref<128x128xbf16, #tpu.memory_space<hbm>>
      tpu.enqueue_dma source(%arg12 : memref<128x128xbf16, #tpu.memory_space<vmem>>) target(%dma_start3A_46 : memref<128x128xbf16, #tpu.memory_space<hbm>>) target_semaphore(%run_scoped3A : memref<!tpu.dma_semaphore, #tpu.memory_space<semaphore_mem>>)
      %dma_wait3A = arith.constant 0 : i32
      %dma_wait3A_47 = tpu.memref_slice %arg6[%arg0, %add3A_34, %dma_wait3A] : memref<2x10240x128xbf16, #tpu.memory_space<hbm>> -> memref<1x128x128xbf16, #tpu.memory_space<hbm>>
      %dma_wait3A_48 = tpu.memref_squeeze %dma_wait3A_47 : memref<1x128x128xbf16, #tpu.memory_space<hbm>> -> memref<128x128xbf16, #tpu.memory_space<hbm>>
      %dma_wait3A_49 = arith.constant 0 : i32
      %dma_wait3A_50 = tpu.memref_slice %arg6[%arg0, %add3A_34, %dma_wait3A_49] : memref<2x10240x128xbf16, #tpu.memory_space<hbm>> -> memref<1x128x128xbf16, #tpu.memory_space<hbm>>
      %dma_wait3A_51 = tpu.memref_squeeze %dma_wait3A_50 : memref<1x128x128xbf16, #tpu.memory_space<hbm>> -> memref<128x128xbf16, #tpu.memory_space<hbm>>
      tpu.wait_dma2 semaphore(%run_scoped3A : memref<!tpu.dma_semaphore, #tpu.memory_space<semaphore_mem>>) src(%arg12 : memref<128x128xbf16, #tpu.memory_space<vmem>>) dst(%dma_wait3A_51 : memref<128x128xbf16, #tpu.memory_space<hbm>>)
      tpu.yield
    }) : () -> ()
    "tpu.region"() ({
      %run_scoped3A = tpu.sem_alloc : memref<!tpu.dma_semaphore, #tpu.memory_space<semaphore_mem>>
      %dma_start3A_41 = arith.constant 0 : i32
      %dma_start3A_42 = tpu.memref_slice %arg9[%add3A_34, %dma_start3A_41] : memref<10240x16xf32, #tpu.memory_space<vmem_shared>> -> memref<128x16xf32, #tpu.memory_space<vmem_shared>>
      %dma_start3A_43 = arith.constant 0 : i32
      %dma_start3A_44 = tpu.memref_slice %arg9[%add3A_34, %dma_start3A_43] : memref<10240x16xf32, #tpu.memory_space<vmem_shared>> -> memref<128x16xf32, #tpu.memory_space<vmem_shared>>
      tpu.enqueue_dma source(%dma_start3A_44 : memref<128x16xf32, #tpu.memory_space<vmem_shared>>) target(%arg14 : memref<128x16xf32, #tpu.memory_space<vmem>>) target_semaphore(%run_scoped3A : memref<!tpu.dma_semaphore, #tpu.memory_space<semaphore_mem>>)
      %dma_wait3A = arith.constant 0 : i32
      %dma_wait3A_45 = tpu.memref_slice %arg9[%add3A_34, %dma_wait3A] : memref<10240x16xf32, #tpu.memory_space<vmem_shared>> -> memref<128x16xf32, #tpu.memory_space<vmem_shared>>
      %dma_wait3A_46 = arith.constant 0 : i32
      %dma_wait3A_47 = tpu.memref_slice %arg9[%add3A_34, %dma_wait3A_46] : memref<10240x16xf32, #tpu.memory_space<vmem_shared>> -> memref<128x16xf32, #tpu.memory_space<vmem_shared>>
      tpu.wait_dma2 semaphore(%run_scoped3A : memref<!tpu.dma_semaphore, #tpu.memory_space<semaphore_mem>>) src(%dma_wait3A_47 : memref<128x16xf32, #tpu.memory_space<vmem_shared>>) dst(%arg14 : memref<128x16xf32, #tpu.memory_space<vmem>>)
      tpu.yield
    }) : () -> ()
    "tpu.region"() ({
      %run_scoped3A = tpu.sem_alloc : memref<!tpu.dma_semaphore, #tpu.memory_space<semaphore_mem>>
      %dma_start3A_41 = arith.constant 0 : i32
      %dma_start3A_42 = tpu.memref_slice %arg7[%arg0, %add3A_34, %dma_start3A_41] : memref<2x10240x16xf32, #tpu.memory_space<hbm>> -> memref<1x128x16xf32, #tpu.memory_space<hbm>>
      %dma_start3A_43 = tpu.memref_squeeze %dma_start3A_42 : memref<1x128x16xf32, #tpu.memory_space<hbm>> -> memref<128x16xf32, #tpu.memory_space<hbm>>
      %dma_start3A_44 = arith.constant 0 : i32
      %dma_start3A_45 = tpu.memref_slice %arg7[%arg0, %add3A_34, %dma_start3A_44] : memref<2x10240x16xf32, #tpu.memory_space<hbm>> -> memref<1x128x16xf32, #tpu.memory_space<hbm>>
      %dma_start3A_46 = tpu.memref_squeeze %dma_start3A_45 : memref<1x128x16xf32, #tpu.memory_space<hbm>> -> memref<128x16xf32, #tpu.memory_space<hbm>>
      tpu.enqueue_dma source(%arg14 : memref<128x16xf32, #tpu.memory_space<vmem>>) target(%dma_start3A_46 : memref<128x16xf32, #tpu.memory_space<hbm>>) target_semaphore(%run_scoped3A : memref<!tpu.dma_semaphore, #tpu.memory_space<semaphore_mem>>)
      %dma_wait3A = arith.constant 0 : i32
      %dma_wait3A_47 = tpu.memref_slice %arg7[%arg0, %add3A_34, %dma_wait3A] : memref<2x10240x16xf32, #tpu.memory_space<hbm>> -> memref<1x128x16xf32, #tpu.memory_space<hbm>>
      %dma_wait3A_48 = tpu.memref_squeeze %dma_wait3A_47 : memref<1x128x16xf32, #tpu.memory_space<hbm>> -> memref<128x16xf32, #tpu.memory_space<hbm>>
      %dma_wait3A_49 = arith.constant 0 : i32
      %dma_wait3A_50 = tpu.memref_slice %arg7[%arg0, %add3A_34, %dma_wait3A_49] : memref<2x10240x16xf32, #tpu.memory_space<hbm>> -> memref<1x128x16xf32, #tpu.memory_space<hbm>>
      %dma_wait3A_51 = tpu.memref_squeeze %dma_wait3A_50 : memref<1x128x16xf32, #tpu.memory_space<hbm>> -> memref<128x16xf32, #tpu.memory_space<hbm>>
      tpu.wait_dma2 semaphore(%run_scoped3A : memref<!tpu.dma_semaphore, #tpu.memory_space<semaphore_mem>>) src(%arg14 : memref<128x16xf32, #tpu.memory_space<vmem>>) dst(%dma_wait3A_51 : memref<128x16xf32, #tpu.memory_space<hbm>>)
      tpu.yield
    }) : () -> ()
    %add3A_35 = arith.constant 256 : i32
    %add3A_36 = arith.addi %mul3A_2, %add3A_35 : i32
    "tpu.region"() ({
      %run_scoped3A = tpu.sem_alloc : memref<!tpu.dma_semaphore, #tpu.memory_space<semaphore_mem>>
      %dma_start3A_41 = arith.constant 0 : i32
      %dma_start3A_42 = tpu.memref_slice %arg8[%add3A_36, %dma_start3A_41] : memref<10240x128xbf16, #tpu.memory_space<vmem_shared>> -> memref<128x128xbf16, #tpu.memory_space<vmem_shared>>
      %dma_start3A_43 = arith.constant 0 : i32
      %dma_start3A_44 = tpu.memref_slice %arg8[%add3A_36, %dma_start3A_43] : memref<10240x128xbf16, #tpu.memory_space<vmem_shared>> -> memref<128x128xbf16, #tpu.memory_space<vmem_shared>>
      tpu.enqueue_dma source(%dma_start3A_44 : memref<128x128xbf16, #tpu.memory_space<vmem_shared>>) target(%arg12 : memref<128x128xbf16, #tpu.memory_space<vmem>>) target_semaphore(%run_scoped3A : memref<!tpu.dma_semaphore, #tpu.memory_space<semaphore_mem>>)
      %dma_wait3A = arith.constant 0 : i32
      %dma_wait3A_45 = tpu.memref_slice %arg8[%add3A_36, %dma_wait3A] : memref<10240x128xbf16, #tpu.memory_space<vmem_shared>> -> memref<128x128xbf16, #tpu.memory_space<vmem_shared>>
      %dma_wait3A_46 = arith.constant 0 : i32
      %dma_wait3A_47 = tpu.memref_slice %arg8[%add3A_36, %dma_wait3A_46] : memref<10240x128xbf16, #tpu.memory_space<vmem_shared>> -> memref<128x128xbf16, #tpu.memory_space<vmem_shared>>
      tpu.wait_dma2 semaphore(%run_scoped3A : memref<!tpu.dma_semaphore, #tpu.memory_space<semaphore_mem>>) src(%dma_wait3A_47 : memref<128x128xbf16, #tpu.memory_space<vmem_shared>>) dst(%arg12 : memref<128x128xbf16, #tpu.memory_space<vmem>>)
      tpu.yield
    }) : () -> ()
    "tpu.region"() ({
      %run_scoped3A = tpu.sem_alloc : memref<!tpu.dma_semaphore, #tpu.memory_space<semaphore_mem>>
      %dma_start3A_41 = arith.constant 0 : i32
      %dma_start3A_42 = tpu.memref_slice %arg6[%arg0, %add3A_36, %dma_start3A_41] : memref<2x10240x128xbf16, #tpu.memory_space<hbm>> -> memref<1x128x128xbf16, #tpu.memory_space<hbm>>
      %dma_start3A_43 = tpu.memref_squeeze %dma_start3A_42 : memref<1x128x128xbf16, #tpu.memory_space<hbm>> -> memref<128x128xbf16, #tpu.memory_space<hbm>>
      %dma_start3A_44 = arith.constant 0 : i32
      %dma_start3A_45 = tpu.memref_slice %arg6[%arg0, %add3A_36, %dma_start3A_44] : memref<2x10240x128xbf16, #tpu.memory_space<hbm>> -> memref<1x128x128xbf16, #tpu.memory_space<hbm>>
      %dma_start3A_46 = tpu.memref_squeeze %dma_start3A_45 : memref<1x128x128xbf16, #tpu.memory_space<hbm>> -> memref<128x128xbf16, #tpu.memory_space<hbm>>
      tpu.enqueue_dma source(%arg12 : memref<128x128xbf16, #tpu.memory_space<vmem>>) target(%dma_start3A_46 : memref<128x128xbf16, #tpu.memory_space<hbm>>) target_semaphore(%run_scoped3A : memref<!tpu.dma_semaphore, #tpu.memory_space<semaphore_mem>>)
      %dma_wait3A = arith.constant 0 : i32
      %dma_wait3A_47 = tpu.memref_slice %arg6[%arg0, %add3A_36, %dma_wait3A] : memref<2x10240x128xbf16, #tpu.memory_space<hbm>> -> memref<1x128x128xbf16, #tpu.memory_space<hbm>>
      %dma_wait3A_48 = tpu.memref_squeeze %dma_wait3A_47 : memref<1x128x128xbf16, #tpu.memory_space<hbm>> -> memref<128x128xbf16, #tpu.memory_space<hbm>>
      %dma_wait3A_49 = arith.constant 0 : i32
      %dma_wait3A_50 = tpu.memref_slice %arg6[%arg0, %add3A_36, %dma_wait3A_49] : memref<2x10240x128xbf16, #tpu.memory_space<hbm>> -> memref<1x128x128xbf16, #tpu.memory_space<hbm>>
      %dma_wait3A_51 = tpu.memref_squeeze %dma_wait3A_50 : memref<1x128x128xbf16, #tpu.memory_space<hbm>> -> memref<128x128xbf16, #tpu.memory_space<hbm>>
      tpu.wait_dma2 semaphore(%run_scoped3A : memref<!tpu.dma_semaphore, #tpu.memory_space<semaphore_mem>>) src(%arg12 : memref<128x128xbf16, #tpu.memory_space<vmem>>) dst(%dma_wait3A_51 : memref<128x128xbf16, #tpu.memory_space<hbm>>)
      tpu.yield
    }) : () -> ()
    "tpu.region"() ({
      %run_scoped3A = tpu.sem_alloc : memref<!tpu.dma_semaphore, #tpu.memory_space<semaphore_mem>>
      %dma_start3A_41 = arith.constant 0 : i32
      %dma_start3A_42 = tpu.memref_slice %arg9[%add3A_36, %dma_start3A_41] : memref<10240x16xf32, #tpu.memory_space<vmem_shared>> -> memref<128x16xf32, #tpu.memory_space<vmem_shared>>
      %dma_start3A_43 = arith.constant 0 : i32
      %dma_start3A_44 = tpu.memref_slice %arg9[%add3A_36, %dma_start3A_43] : memref<10240x16xf32, #tpu.memory_space<vmem_shared>> -> memref<128x16xf32, #tpu.memory_space<vmem_shared>>
      tpu.enqueue_dma source(%dma_start3A_44 : memref<128x16xf32, #tpu.memory_space<vmem_shared>>) target(%arg14 : memref<128x16xf32, #tpu.memory_space<vmem>>) target_semaphore(%run_scoped3A : memref<!tpu.dma_semaphore, #tpu.memory_space<semaphore_mem>>)
      %dma_wait3A = arith.constant 0 : i32
      %dma_wait3A_45 = tpu.memref_slice %arg9[%add3A_36, %dma_wait3A] : memref<10240x16xf32, #tpu.memory_space<vmem_shared>> -> memref<128x16xf32, #tpu.memory_space<vmem_shared>>
      %dma_wait3A_46 = arith.constant 0 : i32
      %dma_wait3A_47 = tpu.memref_slice %arg9[%add3A_36, %dma_wait3A_46] : memref<10240x16xf32, #tpu.memory_space<vmem_shared>> -> memref<128x16xf32, #tpu.memory_space<vmem_shared>>
      tpu.wait_dma2 semaphore(%run_scoped3A : memref<!tpu.dma_semaphore, #tpu.memory_space<semaphore_mem>>) src(%dma_wait3A_47 : memref<128x16xf32, #tpu.memory_space<vmem_shared>>) dst(%arg14 : memref<128x16xf32, #tpu.memory_space<vmem>>)
      tpu.yield
    }) : () -> ()
    "tpu.region"() ({
      %run_scoped3A = tpu.sem_alloc : memref<!tpu.dma_semaphore, #tpu.memory_space<semaphore_mem>>
      %dma_start3A_41 = arith.constant 0 : i32
      %dma_start3A_42 = tpu.memref_slice %arg7[%arg0, %add3A_36, %dma_start3A_41] : memref<2x10240x16xf32, #tpu.memory_space<hbm>> -> memref<1x128x16xf32, #tpu.memory_space<hbm>>
      %dma_start3A_43 = tpu.memref_squeeze %dma_start3A_42 : memref<1x128x16xf32, #tpu.memory_space<hbm>> -> memref<128x16xf32, #tpu.memory_space<hbm>>
      %dma_start3A_44 = arith.constant 0 : i32
      %dma_start3A_45 = tpu.memref_slice %arg7[%arg0, %add3A_36, %dma_start3A_44] : memref<2x10240x16xf32, #tpu.memory_space<hbm>> -> memref<1x128x16xf32, #tpu.memory_space<hbm>>
      %dma_start3A_46 = tpu.memref_squeeze %dma_start3A_45 : memref<1x128x16xf32, #tpu.memory_space<hbm>> -> memref<128x16xf32, #tpu.memory_space<hbm>>
      tpu.enqueue_dma source(%arg14 : memref<128x16xf32, #tpu.memory_space<vmem>>) target(%dma_start3A_46 : memref<128x16xf32, #tpu.memory_space<hbm>>) target_semaphore(%run_scoped3A : memref<!tpu.dma_semaphore, #tpu.memory_space<semaphore_mem>>)
      %dma_wait3A = arith.constant 0 : i32
      %dma_wait3A_47 = tpu.memref_slice %arg7[%arg0, %add3A_36, %dma_wait3A] : memref<2x10240x16xf32, #tpu.memory_space<hbm>> -> memref<1x128x16xf32, #tpu.memory_space<hbm>>
      %dma_wait3A_48 = tpu.memref_squeeze %dma_wait3A_47 : memref<1x128x16xf32, #tpu.memory_space<hbm>> -> memref<128x16xf32, #tpu.memory_space<hbm>>
      %dma_wait3A_49 = arith.constant 0 : i32
      %dma_wait3A_50 = tpu.memref_slice %arg7[%arg0, %add3A_36, %dma_wait3A_49] : memref<2x10240x16xf32, #tpu.memory_space<hbm>> -> memref<1x128x16xf32, #tpu.memory_space<hbm>>
      %dma_wait3A_51 = tpu.memref_squeeze %dma_wait3A_50 : memref<1x128x16xf32, #tpu.memory_space<hbm>> -> memref<128x16xf32, #tpu.memory_space<hbm>>
      tpu.wait_dma2 semaphore(%run_scoped3A : memref<!tpu.dma_semaphore, #tpu.memory_space<semaphore_mem>>) src(%arg14 : memref<128x16xf32, #tpu.memory_space<vmem>>) dst(%dma_wait3A_51 : memref<128x16xf32, #tpu.memory_space<hbm>>)
      tpu.yield
    }) : () -> ()
    %add3A_37 = arith.constant 384 : i32
    %add3A_38 = arith.addi %mul3A_2, %add3A_37 : i32
    "tpu.region"() ({
      %run_scoped3A = tpu.sem_alloc : memref<!tpu.dma_semaphore, #tpu.memory_space<semaphore_mem>>
      %dma_start3A_41 = arith.constant 0 : i32
      %dma_start3A_42 = tpu.memref_slice %arg8[%add3A_38, %dma_start3A_41] : memref<10240x128xbf16, #tpu.memory_space<vmem_shared>> -> memref<128x128xbf16, #tpu.memory_space<vmem_shared>>
      %dma_start3A_43 = arith.constant 0 : i32
      %dma_start3A_44 = tpu.memref_slice %arg8[%add3A_38, %dma_start3A_43] : memref<10240x128xbf16, #tpu.memory_space<vmem_shared>> -> memref<128x128xbf16, #tpu.memory_space<vmem_shared>>
      tpu.enqueue_dma source(%dma_start3A_44 : memref<128x128xbf16, #tpu.memory_space<vmem_shared>>) target(%arg12 : memref<128x128xbf16, #tpu.memory_space<vmem>>) target_semaphore(%run_scoped3A : memref<!tpu.dma_semaphore, #tpu.memory_space<semaphore_mem>>)
      %dma_wait3A = arith.constant 0 : i32
      %dma_wait3A_45 = tpu.memref_slice %arg8[%add3A_38, %dma_wait3A] : memref<10240x128xbf16, #tpu.memory_space<vmem_shared>> -> memref<128x128xbf16, #tpu.memory_space<vmem_shared>>
      %dma_wait3A_46 = arith.constant 0 : i32
      %dma_wait3A_47 = tpu.memref_slice %arg8[%add3A_38, %dma_wait3A_46] : memref<10240x128xbf16, #tpu.memory_space<vmem_shared>> -> memref<128x128xbf16, #tpu.memory_space<vmem_shared>>
      tpu.wait_dma2 semaphore(%run_scoped3A : memref<!tpu.dma_semaphore, #tpu.memory_space<semaphore_mem>>) src(%dma_wait3A_47 : memref<128x128xbf16, #tpu.memory_space<vmem_shared>>) dst(%arg12 : memref<128x128xbf16, #tpu.memory_space<vmem>>)
      tpu.yield
    }) : () -> ()
    "tpu.region"() ({
      %run_scoped3A = tpu.sem_alloc : memref<!tpu.dma_semaphore, #tpu.memory_space<semaphore_mem>>
      %dma_start3A_41 = arith.constant 0 : i32
      %dma_start3A_42 = tpu.memref_slice %arg6[%arg0, %add3A_38, %dma_start3A_41] : memref<2x10240x128xbf16, #tpu.memory_space<hbm>> -> memref<1x128x128xbf16, #tpu.memory_space<hbm>>
      %dma_start3A_43 = tpu.memref_squeeze %dma_start3A_42 : memref<1x128x128xbf16, #tpu.memory_space<hbm>> -> memref<128x128xbf16, #tpu.memory_space<hbm>>
      %dma_start3A_44 = arith.constant 0 : i32
      %dma_start3A_45 = tpu.memref_slice %arg6[%arg0, %add3A_38, %dma_start3A_44] : memref<2x10240x128xbf16, #tpu.memory_space<hbm>> -> memref<1x128x128xbf16, #tpu.memory_space<hbm>>
      %dma_start3A_46 = tpu.memref_squeeze %dma_start3A_45 : memref<1x128x128xbf16, #tpu.memory_space<hbm>> -> memref<128x128xbf16, #tpu.memory_space<hbm>>
      tpu.enqueue_dma source(%arg12 : memref<128x128xbf16, #tpu.memory_space<vmem>>) target(%dma_start3A_46 : memref<128x128xbf16, #tpu.memory_space<hbm>>) target_semaphore(%run_scoped3A : memref<!tpu.dma_semaphore, #tpu.memory_space<semaphore_mem>>)
      %dma_wait3A = arith.constant 0 : i32
      %dma_wait3A_47 = tpu.memref_slice %arg6[%arg0, %add3A_38, %dma_wait3A] : memref<2x10240x128xbf16, #tpu.memory_space<hbm>> -> memref<1x128x128xbf16, #tpu.memory_space<hbm>>
      %dma_wait3A_48 = tpu.memref_squeeze %dma_wait3A_47 : memref<1x128x128xbf16, #tpu.memory_space<hbm>> -> memref<128x128xbf16, #tpu.memory_space<hbm>>
      %dma_wait3A_49 = arith.constant 0 : i32
      %dma_wait3A_50 = tpu.memref_slice %arg6[%arg0, %add3A_38, %dma_wait3A_49] : memref<2x10240x128xbf16, #tpu.memory_space<hbm>> -> memref<1x128x128xbf16, #tpu.memory_space<hbm>>
      %dma_wait3A_51 = tpu.memref_squeeze %dma_wait3A_50 : memref<1x128x128xbf16, #tpu.memory_space<hbm>> -> memref<128x128xbf16, #tpu.memory_space<hbm>>
      tpu.wait_dma2 semaphore(%run_scoped3A : memref<!tpu.dma_semaphore, #tpu.memory_space<semaphore_mem>>) src(%arg12 : memref<128x128xbf16, #tpu.memory_space<vmem>>) dst(%dma_wait3A_51 : memref<128x128xbf16, #tpu.memory_space<hbm>>)
      tpu.yield
    }) : () -> ()
    "tpu.region"() ({
      %run_scoped3A = tpu.sem_alloc : memref<!tpu.dma_semaphore, #tpu.memory_space<semaphore_mem>>
      %dma_start3A_41 = arith.constant 0 : i32
      %dma_start3A_42 = tpu.memref_slice %arg9[%add3A_38, %dma_start3A_41] : memref<10240x16xf32, #tpu.memory_space<vmem_shared>> -> memref<128x16xf32, #tpu.memory_space<vmem_shared>>
      %dma_start3A_43 = arith.constant 0 : i32
      %dma_start3A_44 = tpu.memref_slice %arg9[%add3A_38, %dma_start3A_43] : memref<10240x16xf32, #tpu.memory_space<vmem_shared>> -> memref<128x16xf32, #tpu.memory_space<vmem_shared>>
      tpu.enqueue_dma source(%dma_start3A_44 : memref<128x16xf32, #tpu.memory_space<vmem_shared>>) target(%arg14 : memref<128x16xf32, #tpu.memory_space<vmem>>) target_semaphore(%run_scoped3A : memref<!tpu.dma_semaphore, #tpu.memory_space<semaphore_mem>>)
      %dma_wait3A = arith.constant 0 : i32
      %dma_wait3A_45 = tpu.memref_slice %arg9[%add3A_38, %dma_wait3A] : memref<10240x16xf32, #tpu.memory_space<vmem_shared>> -> memref<128x16xf32, #tpu.memory_space<vmem_shared>>
      %dma_wait3A_46 = arith.constant 0 : i32
      %dma_wait3A_47 = tpu.memref_slice %arg9[%add3A_38, %dma_wait3A_46] : memref<10240x16xf32, #tpu.memory_space<vmem_shared>> -> memref<128x16xf32, #tpu.memory_space<vmem_shared>>
      tpu.wait_dma2 semaphore(%run_scoped3A : memref<!tpu.dma_semaphore, #tpu.memory_space<semaphore_mem>>) src(%dma_wait3A_47 : memref<128x16xf32, #tpu.memory_space<vmem_shared>>) dst(%arg14 : memref<128x16xf32, #tpu.memory_space<vmem>>)
      tpu.yield
    }) : () -> ()
    "tpu.region"() ({
      %run_scoped3A = tpu.sem_alloc : memref<!tpu.dma_semaphore, #tpu.memory_space<semaphore_mem>>
      %dma_start3A_41 = arith.constant 0 : i32
      %dma_start3A_42 = tpu.memref_slice %arg7[%arg0, %add3A_38, %dma_start3A_41] : memref<2x10240x16xf32, #tpu.memory_space<hbm>> -> memref<1x128x16xf32, #tpu.memory_space<hbm>>
      %dma_start3A_43 = tpu.memref_squeeze %dma_start3A_42 : memref<1x128x16xf32, #tpu.memory_space<hbm>> -> memref<128x16xf32, #tpu.memory_space<hbm>>
      %dma_start3A_44 = arith.constant 0 : i32
      %dma_start3A_45 = tpu.memref_slice %arg7[%arg0, %add3A_38, %dma_start3A_44] : memref<2x10240x16xf32, #tpu.memory_space<hbm>> -> memref<1x128x16xf32, #tpu.memory_space<hbm>>
      %dma_start3A_46 = tpu.memref_squeeze %dma_start3A_45 : memref<1x128x16xf32, #tpu.memory_space<hbm>> -> memref<128x16xf32, #tpu.memory_space<hbm>>
      tpu.enqueue_dma source(%arg14 : memref<128x16xf32, #tpu.memory_space<vmem>>) target(%dma_start3A_46 : memref<128x16xf32, #tpu.memory_space<hbm>>) target_semaphore(%run_scoped3A : memref<!tpu.dma_semaphore, #tpu.memory_space<semaphore_mem>>)
      %dma_wait3A = arith.constant 0 : i32
      %dma_wait3A_47 = tpu.memref_slice %arg7[%arg0, %add3A_38, %dma_wait3A] : memref<2x10240x16xf32, #tpu.memory_space<hbm>> -> memref<1x128x16xf32, #tpu.memory_space<hbm>>
      %dma_wait3A_48 = tpu.memref_squeeze %dma_wait3A_47 : memref<1x128x16xf32, #tpu.memory_space<hbm>> -> memref<128x16xf32, #tpu.memory_space<hbm>>
      %dma_wait3A_49 = arith.constant 0 : i32
      %dma_wait3A_50 = tpu.memref_slice %arg7[%arg0, %add3A_38, %dma_wait3A_49] : memref<2x10240x16xf32, #tpu.memory_space<hbm>> -> memref<1x128x16xf32, #tpu.memory_space<hbm>>
      %dma_wait3A_51 = tpu.memref_squeeze %dma_wait3A_50 : memref<1x128x16xf32, #tpu.memory_space<hbm>> -> memref<128x16xf32, #tpu.memory_space<hbm>>
      tpu.wait_dma2 semaphore(%run_scoped3A : memref<!tpu.dma_semaphore, #tpu.memory_space<semaphore_mem>>) src(%arg14 : memref<128x16xf32, #tpu.memory_space<vmem>>) dst(%dma_wait3A_51 : memref<128x16xf32, #tpu.memory_space<hbm>>)
      tpu.yield
    }) : () -> ()
    %add3A_39 = arith.constant 512 : i32
    %add3A_40 = arith.addi %mul3A_2, %add3A_39 : i32
    "tpu.region"() ({
      %run_scoped3A = tpu.sem_alloc : memref<!tpu.dma_semaphore, #tpu.memory_space<semaphore_mem>>
      %dma_start3A_41 = arith.constant 0 : i32
      %dma_start3A_42 = tpu.memref_slice %arg8[%add3A_40, %dma_start3A_41] : memref<10240x128xbf16, #tpu.memory_space<vmem_shared>> -> memref<128x128xbf16, #tpu.memory_space<vmem_shared>>
      %dma_start3A_43 = arith.constant 0 : i32
      %dma_start3A_44 = tpu.memref_slice %arg8[%add3A_40, %dma_start3A_43] : memref<10240x128xbf16, #tpu.memory_space<vmem_shared>> -> memref<128x128xbf16, #tpu.memory_space<vmem_shared>>
      tpu.enqueue_dma source(%dma_start3A_44 : memref<128x128xbf16, #tpu.memory_space<vmem_shared>>) target(%arg12 : memref<128x128xbf16, #tpu.memory_space<vmem>>) target_semaphore(%run_scoped3A : memref<!tpu.dma_semaphore, #tpu.memory_space<semaphore_mem>>)
      %dma_wait3A = arith.constant 0 : i32
      %dma_wait3A_45 = tpu.memref_slice %arg8[%add3A_40, %dma_wait3A] : memref<10240x128xbf16, #tpu.memory_space<vmem_shared>> -> memref<128x128xbf16, #tpu.memory_space<vmem_shared>>
      %dma_wait3A_46 = arith.constant 0 : i32
      %dma_wait3A_47 = tpu.memref_slice %arg8[%add3A_40, %dma_wait3A_46] : memref<10240x128xbf16, #tpu.memory_space<vmem_shared>> -> memref<128x128xbf16, #tpu.memory_space<vmem_shared>>
      tpu.wait_dma2 semaphore(%run_scoped3A : memref<!tpu.dma_semaphore, #tpu.memory_space<semaphore_mem>>) src(%dma_wait3A_47 : memref<128x128xbf16, #tpu.memory_space<vmem_shared>>) dst(%arg12 : memref<128x128xbf16, #tpu.memory_space<vmem>>)
      tpu.yield
    }) : () -> ()
    "tpu.region"() ({
      %run_scoped3A = tpu.sem_alloc : memref<!tpu.dma_semaphore, #tpu.memory_space<semaphore_mem>>
      %dma_start3A_41 = arith.constant 0 : i32
      %dma_start3A_42 = tpu.memref_slice %arg6[%arg0, %add3A_40, %dma_start3A_41] : memref<2x10240x128xbf16, #tpu.memory_space<hbm>> -> memref<1x128x128xbf16, #tpu.memory_space<hbm>>
      %dma_start3A_43 = tpu.memref_squeeze %dma_start3A_42 : memref<1x128x128xbf16, #tpu.memory_space<hbm>> -> memref<128x128xbf16, #tpu.memory_space<hbm>>
      %dma_start3A_44 = arith.constant 0 : i32
      %dma_start3A_45 = tpu.memref_slice %arg6[%arg0, %add3A_40, %dma_start3A_44] : memref<2x10240x128xbf16, #tpu.memory_space<hbm>> -> memref<1x128x128xbf16, #tpu.memory_space<hbm>>
      %dma_start3A_46 = tpu.memref_squeeze %dma_start3A_45 : memref<1x128x128xbf16, #tpu.memory_space<hbm>> -> memref<128x128xbf16, #tpu.memory_space<hbm>>
      tpu.enqueue_dma source(%arg12 : memref<128x128xbf16, #tpu.memory_space<vmem>>) target(%dma_start3A_46 : memref<128x128xbf16, #tpu.memory_space<hbm>>) target_semaphore(%run_scoped3A : memref<!tpu.dma_semaphore, #tpu.memory_space<semaphore_mem>>)
      %dma_wait3A = arith.constant 0 : i32
      %dma_wait3A_47 = tpu.memref_slice %arg6[%arg0, %add3A_40, %dma_wait3A] : memref<2x10240x128xbf16, #tpu.memory_space<hbm>> -> memref<1x128x128xbf16, #tpu.memory_space<hbm>>
      %dma_wait3A_48 = tpu.memref_squeeze %dma_wait3A_47 : memref<1x128x128xbf16, #tpu.memory_space<hbm>> -> memref<128x128xbf16, #tpu.memory_space<hbm>>
      %dma_wait3A_49 = arith.constant 0 : i32
      %dma_wait3A_50 = tpu.memref_slice %arg6[%arg0, %add3A_40, %dma_wait3A_49] : memref<2x10240x128xbf16, #tpu.memory_space<hbm>> -> memref<1x128x128xbf16, #tpu.memory_space<hbm>>
      %dma_wait3A_51 = tpu.memref_squeeze %dma_wait3A_50 : memref<1x128x128xbf16, #tpu.memory_space<hbm>> -> memref<128x128xbf16, #tpu.memory_space<hbm>>
      tpu.wait_dma2 semaphore(%run_scoped3A : memref<!tpu.dma_semaphore, #tpu.memory_space<semaphore_mem>>) src(%arg12 : memref<128x128xbf16, #tpu.memory_space<vmem>>) dst(%dma_wait3A_51 : memref<128x128xbf16, #tpu.memory_space<hbm>>)
      tpu.yield
    }) : () -> ()
    "tpu.region"() ({
      %run_scoped3A = tpu.sem_alloc : memref<!tpu.dma_semaphore, #tpu.memory_space<semaphore_mem>>
      %dma_start3A_41 = arith.constant 0 : i32
      %dma_start3A_42 = tpu.memref_slice %arg9[%add3A_40, %dma_start3A_41] : memref<10240x16xf32, #tpu.memory_space<vmem_shared>> -> memref<128x16xf32, #tpu.memory_space<vmem_shared>>
      %dma_start3A_43 = arith.constant 0 : i32
      %dma_start3A_44 = tpu.memref_slice %arg9[%add3A_40, %dma_start3A_43] : memref<10240x16xf32, #tpu.memory_space<vmem_shared>> -> memref<128x16xf32, #tpu.memory_space<vmem_shared>>
      tpu.enqueue_dma source(%dma_start3A_44 : memref<128x16xf32, #tpu.memory_space<vmem_shared>>) target(%arg14 : memref<128x16xf32, #tpu.memory_space<vmem>>) target_semaphore(%run_scoped3A : memref<!tpu.dma_semaphore, #tpu.memory_space<semaphore_mem>>)
      %dma_wait3A = arith.constant 0 : i32
      %dma_wait3A_45 = tpu.memref_slice %arg9[%add3A_40, %dma_wait3A] : memref<10240x16xf32, #tpu.memory_space<vmem_shared>> -> memref<128x16xf32, #tpu.memory_space<vmem_shared>>
      %dma_wait3A_46 = arith.constant 0 : i32
      %dma_wait3A_47 = tpu.memref_slice %arg9[%add3A_40, %dma_wait3A_46] : memref<10240x16xf32, #tpu.memory_space<vmem_shared>> -> memref<128x16xf32, #tpu.memory_space<vmem_shared>>
      tpu.wait_dma2 semaphore(%run_scoped3A : memref<!tpu.dma_semaphore, #tpu.memory_space<semaphore_mem>>) src(%dma_wait3A_47 : memref<128x16xf32, #tpu.memory_space<vmem_shared>>) dst(%arg14 : memref<128x16xf32, #tpu.memory_space<vmem>>)
      tpu.yield
    }) : () -> ()
    "tpu.region"() ({
      %run_scoped3A = tpu.sem_alloc : memref<!tpu.dma_semaphore, #tpu.memory_space<semaphore_mem>>
      %dma_start3A_41 = arith.constant 0 : i32
      %dma_start3A_42 = tpu.memref_slice %arg7[%arg0, %add3A_40, %dma_start3A_41] : memref<2x10240x16xf32, #tpu.memory_space<hbm>> -> memref<1x128x16xf32, #tpu.memory_space<hbm>>
      %dma_start3A_43 = tpu.memref_squeeze %dma_start3A_42 : memref<1x128x16xf32, #tpu.memory_space<hbm>> -> memref<128x16xf32, #tpu.memory_space<hbm>>
      %dma_start3A_44 = arith.constant 0 : i32
      %dma_start3A_45 = tpu.memref_slice %arg7[%arg0, %add3A_40, %dma_start3A_44] : memref<2x10240x16xf32, #tpu.memory_space<hbm>> -> memref<1x128x16xf32, #tpu.memory_space<hbm>>
      %dma_start3A_46 = tpu.memref_squeeze %dma_start3A_45 : memref<1x128x16xf32, #tpu.memory_space<hbm>> -> memref<128x16xf32, #tpu.memory_space<hbm>>
      tpu.enqueue_dma source(%arg14 : memref<128x16xf32, #tpu.memory_space<vmem>>) target(%dma_start3A_46 : memref<128x16xf32, #tpu.memory_space<hbm>>) target_semaphore(%run_scoped3A : memref<!tpu.dma_semaphore, #tpu.memory_space<semaphore_mem>>)
      %dma_wait3A = arith.constant 0 : i32
      %dma_wait3A_47 = tpu.memref_slice %arg7[%arg0, %add3A_40, %dma_wait3A] : memref<2x10240x16xf32, #tpu.memory_space<hbm>> -> memref<1x128x16xf32, #tpu.memory_space<hbm>>
      %dma_wait3A_48 = tpu.memref_squeeze %dma_wait3A_47 : memref<1x128x16xf32, #tpu.memory_space<hbm>> -> memref<128x16xf32, #tpu.memory_space<hbm>>
      %dma_wait3A_49 = arith.constant 0 : i32
      %dma_wait3A_50 = tpu.memref_slice %arg7[%arg0, %add3A_40, %dma_wait3A_49] : memref<2x10240x16xf32, #tpu.memory_space<hbm>> -> memref<1x128x16xf32, #tpu.memory_space<hbm>>
      %dma_wait3A_51 = tpu.memref_squeeze %dma_wait3A_50 : memref<1x128x16xf32, #tpu.memory_space<hbm>> -> memref<128x16xf32, #tpu.memory_space<hbm>>
      tpu.wait_dma2 semaphore(%run_scoped3A : memref<!tpu.dma_semaphore, #tpu.memory_space<semaphore_mem>>) src(%arg14 : memref<128x16xf32, #tpu.memory_space<vmem>>) dst(%dma_wait3A_51 : memref<128x16xf32, #tpu.memory_space<hbm>>)
      tpu.yield
    }) : () -> ()
    return
  }
}

module attributes {stable_mosaic.version = 14 : i64} {
  func.func @_tc_body(%arg0: i32, %arg1: memref<1000x128xf32, #tpu.memory_space<vmem>>, %arg2: memref<2x1000x128xbf16, #tpu.memory_space<vmem>>, %arg3: memref<2x1000x16xf32, #tpu.memory_space<vmem>>, %arg4: memref<256x128xf32, #tpu.memory_space<vmem>>, %arg5: memref<10x128xf32, #tpu.memory_space<vmem>>, %arg6: memref<1x10xf32, #tpu.memory_space<vmem>>, %arg7: memref<1x10xf32, #tpu.memory_space<vmem>>, %arg8: memref<1x128xf32, #tpu.memory_space<vmem>>) attributes {dimension_semantics = [#tpu.dimension_semantics<arbitrary>], iteration_bounds = array<i64: 10>, scalar_prefetch = 0 : i64, scratch_operands = 1 : i64, tpu.core_type = #tpu.core_type<tc>, window_params = [{transform_indices = @transform_0, window_bounds = array<i64: 1000, 128>}, {transform_indices = @transform_1, window_bounds = array<i64: 2, 1000, 128>}, {transform_indices = @transform_2, window_bounds = array<i64: 2, 1000, 16>}, {pipeline_mode = #tpu.pipeline_mode<synchronous>, transform_indices = @transform_3, window_bounds = array<i64: 256, 128>}, {pipeline_mode = #tpu.pipeline_mode<synchronous>, transform_indices = @transform_4, window_bounds = array<i64: 10, 128>}, {pipeline_mode = #tpu.pipeline_mode<synchronous>, transform_indices = @transform_5, window_bounds = array<i64: 1, 10>}, {pipeline_mode = #tpu.pipeline_mode<synchronous>, transform_indices = @transform_6, window_bounds = array<i64: 1, 10>}]} {
    %eq3A = arith.constant 0 : i32
    %eq3A_0 = arith.cmpi eq, %arg0, %eq3A : i32
    %convert_element_type3A = arith.extui %eq3A_0 : i1 to i32
    %cond3A = arith.constant 0 : i32
    %cond3A_1 = arith.cmpi ne, %convert_element_type3A, %cond3A : i32
    scf.if %cond3A_1 {
      %broadcast_in_dim3A_52 = arith.constant 0.000000e+00 : f32
      %broadcast_in_dim3A_53 = vector.broadcast %broadcast_in_dim3A_52 : f32 to vector<1x128xf32>
      %swap3A_54 = arith.constant 0 : index
      %swap3A_55 = arith.constant 0 : index
      %swap3A_56 = vector.load %arg8[%swap3A_54, %swap3A_55] : memref<1x128xf32, #tpu.memory_space<vmem>>, vector<1x128xf32>
      tpu.vector_store %arg8[%swap3A_54, %swap3A_55], %broadcast_in_dim3A_53 {strides = array<i32>} : memref<1x128xf32, #tpu.memory_space<vmem>>, vector<1x128xf32>,
    } else {
    }
    %get3A = arith.constant 0 : index
    %get3A_2 = arith.constant 0 : index
    %get3A_3 = vector.load %arg1[%get3A, %get3A_2] : memref<1000x128xf32, #tpu.memory_space<vmem>>, vector<1000x128xf32>
    %get3A_4 = arith.constant 0 : index
    %get3A_5 = arith.constant 0 : index
    %get3A_6 = arith.constant 0 : index
    %get3A_7 = vector.load %arg2[%get3A_4, %get3A_5, %get3A_6] : memref<2x1000x128xbf16, #tpu.memory_space<vmem>>, vector<1x1000x128xbf16>
    %get3A_8 = vector.shape_cast %get3A_7 : vector<1x1000x128xbf16> to vector<1000x128xbf16>
    %convert_element_type3A_9 = arith.extf %get3A_8 : vector<1000x128xbf16> to vector<1000x128xf32>
    %get3A_10 = arith.constant 1 : index
    %get3A_11 = arith.constant 0 : index
    %get3A_12 = arith.constant 0 : index
    %get3A_13 = vector.load %arg2[%get3A_10, %get3A_11, %get3A_12] : memref<2x1000x128xbf16, #tpu.memory_space<vmem>>, vector<1x1000x128xbf16>
    %get3A_14 = vector.shape_cast %get3A_13 : vector<1x1000x128xbf16> to vector<1000x128xbf16>
    %convert_element_type3A_15 = arith.extf %get3A_14 : vector<1000x128xbf16> to vector<1000x128xf32>
    %add3A = arith.addf %convert_element_type3A_9, %convert_element_type3A_15 : vector<1000x128xf32>
    %get3A_16 = arith.constant 0 : index
    %get3A_17 = arith.constant 0 : index
    %get3A_18 = arith.constant 0 : index
    %get3A_19 = vector.load %arg3[%get3A_16, %get3A_17, %get3A_18] : memref<2x1000x16xf32, #tpu.memory_space<vmem>>, vector<1x1000x1xf32>
    %get3A_20 = vector.shape_cast %get3A_19 : vector<1x1000x1xf32> to vector<1000x1xf32>
    %get3A_21 = arith.constant 1 : index
    %get3A_22 = arith.constant 0 : index
    %get3A_23 = arith.constant 0 : index
    %get3A_24 = vector.load %arg3[%get3A_21, %get3A_22, %get3A_23] : memref<2x1000x16xf32, #tpu.memory_space<vmem>>, vector<1x1000x1xf32>
    %get3A_25 = vector.shape_cast %get3A_24 : vector<1x1000x1xf32> to vector<1000x1xf32>
    %add3A_26 = arith.addf %get3A_20, %get3A_25 : vector<1000x1xf32>
    %jit3A = arith.constant 1.000000e+00 : f32
    %max3A = vector.broadcast %jit3A : f32 to vector<1000x1xf32>
    %max3A_27 = arith.maximumf %max3A, %add3A_26 : vector<1000x1xf32>
    %div3A = vector.broadcast %max3A_27 : vector<1000x1xf32> to vector<1000x128xf32>
    %div3A_28 = arith.divf %add3A, %div3A : vector<1000x128xf32>
    %get3A_29 = arith.constant 0 : index
    %get3A_30 = arith.constant 0 : index
    %get3A_31 = vector.load %arg4[%get3A_29, %get3A_30] : memref<256x128xf32, #tpu.memory_space<vmem>>, vector<256x128xf32>
    %slice3A = vector.extract_strided_slice %get3A_31 {offsets = [0, 0], sizes = [128, 128], strides = [1, 1]} : vector<256x128xf32> to vector<128x128xf32>
    %dot_general3A = arith.constant dense<0.000000e+00> : vector<1000x128xf32>
    %dot_general3A_32 = tpu.matmul %get3A_3, %slice3A, %dot_general3A {dimension_numbers = #tpu.dot_dimension_numbers<[1], [0], [0], [1], [0, 0, 1, 1], [], []>, transpose_lhs_hint = false} : vector<1000x128xf32>, vector<128x128xf32>, vector<1000x128xf32> -> vector<1000x128xf32>
    %slice3A_33 = vector.extract_strided_slice %get3A_31 {offsets = [128, 0], sizes = [128, 128], strides = [1, 1]} : vector<256x128xf32> to vector<128x128xf32>
    %dot_general3A_34 = arith.constant dense<0.000000e+00> : vector<1000x128xf32>
    %dot_general3A_35 = tpu.matmul %div3A_28, %slice3A_33, %dot_general3A_34 {dimension_numbers = #tpu.dot_dimension_numbers<[1], [0], [0], [1], [0, 0, 1, 1], [], []>, transpose_lhs_hint = false} : vector<1000x128xf32>, vector<128x128xf32>, vector<1000x128xf32> -> vector<1000x128xf32>
    %add3A_36 = arith.addf %dot_general3A_32, %dot_general3A_35 : vector<1000x128xf32>
    %max3A_37 = arith.constant 0.000000e+00 : f32
    %max3A_38 = vector.broadcast %max3A_37 : f32 to vector<1000x128xf32>
    %max3A_39 = arith.maximumf %add3A_36, %max3A_38 : vector<1000x128xf32>
    %get3A_40 = arith.constant 0 : index
    %get3A_41 = arith.constant 0 : index
    %get3A_42 = vector.load %arg8[%get3A_40, %get3A_41] : memref<1x128xf32, #tpu.memory_space<vmem>>, vector<1x128xf32>
    %reduce_sum3A = arith.constant dense<0.000000e+00> : vector<128xf32>
    %reduce_sum3A_43 = vector.multi_reduction <add>, %max3A_39, %reduce_sum3A [0] : vector<1000x128xf32> to vector<128xf32>
    %broadcast_in_dim3A = vector.shape_cast %reduce_sum3A_43 : vector<128xf32> to vector<1x128xf32>
    %add3A_44 = arith.addf %get3A_42, %broadcast_in_dim3A : vector<1x128xf32>
    %swap3A = arith.constant 0 : index
    %swap3A_45 = arith.constant 0 : index
    %swap3A_46 = vector.load %arg8[%swap3A, %swap3A_45] : memref<1x128xf32, #tpu.memory_space<vmem>>, vector<1x128xf32>
    tpu.vector_store %arg8[%swap3A, %swap3A_45], %add3A_44 {strides = array<i32>} : memref<1x128xf32, #tpu.memory_space<vmem>>, vector<1x128xf32>,
    %eq3A_47 = arith.constant 9 : i32
    %eq3A_48 = arith.cmpi eq, %arg0, %eq3A_47 : i32
    %convert_element_type3A_49 = arith.extui %eq3A_48 : i1 to i32
    %cond3A_50 = arith.constant 0 : i32
    %cond3A_51 = arith.cmpi ne, %convert_element_type3A_49, %cond3A_50 : i32
    scf.if %cond3A_51 {
      %get3A_52 = arith.constant 0 : index
      %get3A_53 = arith.constant 0 : index
      %get3A_54 = vector.load %arg8[%get3A_52, %get3A_53] : memref<1x128xf32, #tpu.memory_space<vmem>>, vector<1x128xf32>
      %get3A_55 = arith.constant 0 : index
      %get3A_56 = arith.constant 0 : index
      %get3A_57 = vector.load %arg5[%get3A_55, %get3A_56] : memref<10x128xf32, #tpu.memory_space<vmem>>, vector<10x128xf32>
      %dot_general3A_58 = arith.constant dense<0.000000e+00> : vector<1x10xf32>
      %dot_general3A_59 = tpu.matmul %get3A_54, %get3A_57, %dot_general3A_58 {dimension_numbers = #tpu.dot_dimension_numbers<[1], [1], [0], [0], [0, 0, 1, 0], [], []>, transpose_lhs_hint = false} : vector<1x128xf32>, vector<10x128xf32>, vector<1x10xf32> -> vector<1x10xf32>
      %get3A_60 = arith.constant 0 : index
      %get3A_61 = arith.constant 0 : index
      %get3A_62 = vector.load %arg6[%get3A_60, %get3A_61] : memref<1x10xf32, #tpu.memory_space<vmem>>, vector<1x10xf32>
      %add3A_63 = arith.addf %dot_general3A_59, %get3A_62 : vector<1x10xf32>
      %swap3A_64 = arith.constant 0 : index
      %swap3A_65 = arith.constant 0 : index
      %swap3A_66 = vector.load %arg7[%swap3A_64, %swap3A_65] : memref<1x10xf32, #tpu.memory_space<vmem>>, vector<1x10xf32>
      tpu.vector_store %arg7[%swap3A_64, %swap3A_65], %add3A_63 {strides = array<i32>} : memref<1x10xf32, #tpu.memory_space<vmem>>, vector<1x10xf32>,
    } else {
    }
    return
  }
  func.func @transform_0(%arg0: i32) -> (i32, i32) {
    %c0_i32 = arith.constant 0 : i32
    %c0_i32_0 = arith.constant 0 : i32
    return %arg0, %c0_i32 : i32, i32
  }
  func.func @transform_1(%arg0: i32) -> (i32, i32, i32) {
    %c0_i32 = arith.constant 0 : i32
    %c0_i32_0 = arith.constant 0 : i32
    %c0_i32_1 = arith.constant 0 : i32
    return %c0_i32, %arg0, %c0_i32_0 : i32, i32, i32
  }
  func.func @transform_2(%arg0: i32) -> (i32, i32, i32) {
    %c0_i32 = arith.constant 0 : i32
    %c0_i32_0 = arith.constant 0 : i32
    %c0_i32_1 = arith.constant 0 : i32
    return %c0_i32, %arg0, %c0_i32_0 : i32, i32, i32
  }
  func.func @transform_3(%arg0: i32) -> (i32, i32) {
    %c0_i32 = arith.constant 0 : i32
    %c0_i32_0 = arith.constant 0 : i32
    %c0_i32_1 = arith.constant 0 : i32
    return %c0_i32, %c0_i32_0 : i32, i32
  }
  func.func @transform_4(%arg0: i32) -> (i32, i32) {
    %c0_i32 = arith.constant 0 : i32
    %c0_i32_0 = arith.constant 0 : i32
    %c0_i32_1 = arith.constant 0 : i32
    return %c0_i32, %c0_i32_0 : i32, i32
  }
  func.func @transform_5(%arg0: i32) -> (i32, i32) {
    %c0_i32 = arith.constant 0 : i32
    %c0_i32_0 = arith.constant 0 : i32
    %c0_i32_1 = arith.constant 0 : i32
    return %c0_i32, %c0_i32_0 : i32, i32
  }
  func.func @transform_6(%arg0: i32) -> (i32, i32) {
    %c0_i32 = arith.constant 0 : i32
    %c0_i32_0 = arith.constant 0 : i32
    %c0_i32_1 = arith.constant 0 : i32
    return %c0_i32, %c0_i32_0 : i32, i32
  }
}

</mosaic_0001>

<sc_bundles>
// kernel: kernel.4.cloned.1.call-start
scs
__scs_entry_jumppad:
0x0: {  	(pc) =	sbr.rel $0x88, $3  }
0x1: {  	(tag) =	ssettag $0x0;
	lr =	simm.s32 $0x1  }
0x2: {  	[smem:$0x3F9C] =	sst lr;
	_ =	strace $0xD0000000  }
0x3: {  	_ = 	snop  }
0x4: {  	_ = 	snop  }
0x5: {  	_ = 	snop  }
0x6: {  	_ = 	snop  }
0x7: {  	_ = 	snop  }
__scs_overlays_trampoline_lowered:
0x8: {  	[smem:$0x3FAB] =	sst s0  }
0x9: {  	[smem:$0x3FAC] =	sst s1  }
0xa: {  	[smem:$0x3FAD] =	sst s2  }
0xb: {  	[smem:$0x3FAE] =	sst s3  }
0xc: {  	[smem:$0x3FAF] =	sst s4  }
0xd: {  	[smem:$0x3FB0] =	sst s5  }
0xe: {  	[smem:$0x3FB1] =	sst s6  }
0xf: {  	[smem:$0x3FB2] =	sst s7  }
0x10: {  	[smem:$0x3FB3] =	sst s8  }
0x11: {  	[smem:$0x3FB4] =	sst s9;
	s0 =	simm.s32 @!p0 $0x0  }
0x12: {  	s1 =	sld [smem:$0x3F9A];
	s0 =	simm.s32 @p0 $0x1  }
0x13: {  	[smem:$0x3FB5] =	sst s0;
	s0 =	simm.s32 @!p1 $0x0  }
0x14: {  	s2 =	sld [smem:$0x3F99];
	s0 =	simm.s32 @p1 $0x1  }
0x15: {  	[smem:$0x3FB6] =	sst s0;
	s0 =	simm.s32 @!p2 $0x0  }
0x16: {  	s3 =	sld [smem:$0x3FDB];
	s0 =	simm.s32 @p2 $0x1  }
0x17: {  	s4 =	simm.s32 $0x1BF5;
	[smem:$0x3FB8] =	sst s0  }
0x18: {  	s0 =	sld [smem:$0x3F9B];
	_ =	swait.ge [sflag:s4], $0x0  }
0x19: {  	s7 =	sld [smem:$0x3F9C]  }
0x1a: {  	s8 =	sadd.s32 $0xFFFFE003, lr  }
0x1b: {  	s9 =	sadd.s32 $0xFFFFFEF7, lr;
	s5 =	simm.s32 $0xFFFFFFFF;
	p2 =	slt.u32 s8, $0xFFFFF086  }
0x1c: {  	p1 =	slt.u32 s9, $0xF7A;
	s5 =	simm.s32 @!p2 $0x0  }
0x1d: {  	s5 =	simm.s32 @p1 $0x1;
	p0 =	seq.s32 s7, s2  }
0x1e: {  	s7 =	smul.u32 @!p0 $0xF7A, s2;
	p2 =	seq.s32 @!p0 s5, $0x0  }
0x1f: {  	s9 =	smul.u32 $0xF7A, s1;
	s8 =	simm.s32 @!p0 $0x1BF5;
	p2 =	por !p2, p0  }
0x20: {  	[sflag:s8] =	ssyncset.s32 @!p0 $0xFFFFF086;
	s6 =	sadd.s32 @!p0 s3, s7;
	s7 =	simm.s32 @!p0 $0x108  }
0x21: {  	s3 =	sadd.s32 s3, s9;
	s6 =	sadd.s32 @!p0 $0x88, s6;
	s7 =	simm.s32 @p2 $0x1082  }
0x22: {  	[simem:s7], [sflag:s8] =	dma.local @!p0 [hbm:s6], $0xF7A  }
0x23: {  	s9 =	sor.u32 $0xD0000000, s2;
	s6 =	simm.s32 $0x108;
	_ =	swait.ge @!p0 [sflag:s8], $0x0  }
0x24: {  	s3 =	sadd.s32 $0x88, s3;
	s6 =	simm.s32 @!p1 $0x1082;
	[sflag:s4] =	ssyncset.s32 $0xFFFFF086  }
0x25: {  	[simem:s6], [sflag:s4] =	dma.local [hbm:s3], $0xF7A  }
0x26: {  	[smem:$0x3F9C] =	sst s1;
	(tag) =	ssettag s2;
	_ =	strace s9  }
0x27: {  	s1 =	sld [smem:$0x3FAC]  }
0x28: {  	s2 =	sld [smem:$0x3FAD]  }
0x29: {  	s4 =	sld [smem:$0x3FAF]  }
0x2a: {  	p0 =	seq.s32 s5, $0x0;
	s5 =	sld [smem:$0x3FB0]  }
0x2b: {  	s6 =	sld [smem:$0x3FB1]  }
0x2c: {  	s7 =	sld [smem:$0x3FB2]  }
0x2d: {  	s3 =	simm.s32 $0x108;
	s8 =	sld [smem:$0x3FB3]  }
0x2e: {  	s3 =	simm.s32 @!p0 $0x1082;
	s9 =	sld [smem:$0x3FB4]  }
0x2f: {  	lr =	sadd.s32 s0, s3;
	s0 =	sld [smem:$0x3FAB]  }
0x30: {  	s3 =	sld [smem:$0x3FAE]  }
0x31: {  	[smem:$0x3FB7] =	sst s10  }
0x32: {  	s10 =	sld [smem:$0x3FB5];
	_ =	sdelay $0x3  }
0x33: {  	p0 =	seq.s32 s10, $0x1;
	s10 =	sld [smem:$0x3FB7];
	_ =	sdelay $0x3  }
0x34: {  	[smem:$0x3FB7] =	sst s10  }
0x35: {  	s10 =	sld [smem:$0x3FB6];
	_ =	sdelay $0x3  }
0x36: {  	p1 =	seq.s32 s10, $0x1;
	s10 =	sld [smem:$0x3FB7];
	_ =	sdelay $0x3  }
0x37: {  	[smem:$0x3FB7] =	sst s10  }
0x38: {  	s10 =	sld [smem:$0x3FB8]  }
0x39: {  	_ = 	snop;
	(pc) =	sbr.ind lr, $3  }
0x3a: {  	_ = 	snop  }
0x3b: {  	_ = 	snop  }
0x3c: {  	p2 =	seq.s32 s10, $0x1;
	s10 =	sld [smem:$0x3FB7]  }
0x3d: {  	_ =	shalt  }
0x3e: {  	_ =	shalt  }
0x3f: {  	_ =	shalt  }
0x40: {  	_ =	shalt  }
0x41: {  	_ =	shalt  }
0x42: {  	_ =	shalt  }
0x43: {  	_ =	shalt  }
0x44: {  	_ =	shalt  }
0x45: {  	_ =	shalt  }
0x46: {  	_ =	shalt  }
0x47: {  	_ =	shalt  }
0x48: {  	_ =	shalt  }
0x49: {  	_ =	shalt  }
0x4a: {  	_ =	shalt  }
0x4b: {  	_ =	shalt  }
0x4c: {  	_ =	shalt  }
0x4d: {  	_ =	shalt  }
0x4e: {  	_ =	shalt  }
0x4f: {  	_ =	shalt  }
0x50: {  	_ =	shalt  }
0x51: {  	_ =	shalt  }
0x52: {  	_ =	shalt  }
0x53: {  	_ =	shalt  }
0x54: {  	_ =	shalt  }
0x55: {  	_ =	shalt  }
0x56: {  	_ =	shalt  }
0x57: {  	_ =	shalt  }
0x58: {  	_ =	shalt  }
0x59: {  	_ =	shalt  }
0x5a: {  	_ =	shalt  }
0x5b: {  	_ =	shalt  }
0x5c: {  	_ =	shalt  }
0x5d: {  	_ =	shalt  }
0x5e: {  	_ =	shalt  }
0x5f: {  	_ =	shalt  }
0x60: {  	_ =	shalt  }
0x61: {  	_ =	shalt  }
0x62: {  	_ =	shalt  }
0x63: {  	_ =	shalt  }
0x64: {  	_ =	shalt  }
0x65: {  	_ =	shalt  }
0x66: {  	_ =	shalt  }
0x67: {  	_ =	shalt  }
0x68: {  	_ =	shalt  }
0x69: {  	_ =	shalt  }
0x6a: {  	_ =	shalt  }
0x6b: {  	_ =	shalt  }
0x6c: {  	_ =	shalt  }
0x6d: {  	_ =	shalt  }
0x6e: {  	_ =	shalt  }
0x6f: {  	_ =	shalt  }
0x70: {  	_ =	shalt  }
0x71: {  	_ =	shalt  }
0x72: {  	_ =	shalt  }
0x73: {  	_ =	shalt  }
0x74: {  	_ =	shalt  }
0x75: {  	_ =	shalt  }
0x76: {  	_ =	shalt  }
0x77: {  	_ =	shalt  }
0x78: {  	_ =	shalt  }
0x79: {  	_ =	shalt  }
0x7a: {  	_ =	shalt  }
0x7b: {  	_ =	shalt  }
0x7c: {  	_ =	shalt  }
0x7d: {  	_ =	shalt  }
0x7e: {  	_ =	shalt  }
0x7f: {  	_ =	shalt  }
0x80: {  	_ =	shalt  }
0x81: {  	_ =	shalt  }
0x82: {  	_ =	shalt  }
0x83: {  	_ =	shalt  }
0x84: {  	_ =	shalt  }
0x85: {  	_ =	shalt  }
0x86: {  	_ =	shalt  }
0x87: {  	_ =	shalt  }
.Lfunc_end0:
.L_simem_size_0:
called_computation_lowered:
.L_overlay_start_0:
0x88: {  	s2 =	sld [smem:$0x3FD9]  }
0x89: {  	s3 =	sld [smem:$0x3FFE];
	_ =	sdelay $0x1  }
0x8a: {  	s1 =	srdreg.scid  }
0x8b: {  	s0 =	sand.u32 $0x1, s1  }
0x8c: {  	s16 =	sshll.u32 s0, $0xA;
	s2 =	sadd.s32 s3, s2  }
0x8d: {  	s2 =	sadd.s32 s2, s16  }
0x8e: {  	[smem:$0x3FC3] =	sst s2  }
0x8f: {  	_ = 	snop  }
0x90: {  	(tm) =	ssettm $0x1  }
0x91: {  	s17 =	sld [smem:$0x3FFB];
	_ =	sdelay $0x3  }
0x92: {  	_ =	strace s17  }
0x93: {  	s2 =	sld [smem:$0x3FFC];
	_ =	sdelay $0x3  }
0x94: {  	_ =	strace s2  }
0x95: {  	s2 =	sld [smem:$0x3FFD];
	_ =	sdelay $0x3  }
0x96: {  	_ =	strace s2  }
0x97: {  	_ =	strace $0x8FFFFFFF  }
0x98: {  	s18 =	sld [smem:$0x3FDB];
	_ =	sdelay $0x1  }
0x99: {  	s19 =	simm.s32 $_scs_section_size  }
0x9a: {  	s4 =	simm.s32 $_size__tile_overlayer_lowered;
	s5 =	simm.s32 $_tile_overlayer_lowered  }
0x9b: {  	s22 =	simm.s32 $0x1BFF;
	s21 =	sshll.u32 s5, $0x1;
	s2 =	sadd.s32 s19, s18  }
0x9c: {  	s6 =	simm.s32 $0x0;
	s20 =	sshll.u32 s4, $0x1;
	s4 =	sadd.s32 s21, s2  }
0x9d: {  	[timem:s6], [sflag:s22] =	dma.local [hbm:s4], s20  }
0x9e: {  	_ =	swait.ge [sflag:s22], s20  }
0x9f: {  	s3 =	ssub.s32 $0x0, s20;
	[sflag:s22] =	ssyncset.done $0x0  }
0xa0: {  	[sflag:s22] =	ssyncadd.s32 s3;
	_ =	sdelay $0x1  }
0xa1: {  	s23 =	simm.s32 $0x1B8B  }
0xa2: {  	_ =	swait.ge [sflag:s23], $0x1  }
0xa3: {  	[sflag:s23] =	ssyncset.done $0x0  }
0xa4: {  	s25 =	simm.s32 $0x1B8E;
	s24 =	sld [smem:$0x3FFE];
	[sflag:s23] =	ssyncadd.s32 $0xFFFFFFFF  }
0xa5: {  	s26 =	simm.s32 $execute0_lowered;
	[smem:$0x3FD2] =	sst s25  }
0xa6: {  	s4 =	sshll.u32 s26, $0x1;
	_ =	strace $0x80000046;
	[dreg:$0x1] =	wrdreg $0xFFFFFFFF  }
0xa7: {  	s28 =	simm.s32 $_size_execute0_lowered;
	s2 =	sadd.s32 s2, s4;
	[dreg:$0x0] =	wrdreg $0x0  }
0xa8: {  	s4 =	sshll.u32 s28, $0x1;
	[dreg:$0x2] =	wrdreg s2  }
0xa9: {  	[dreg:$0x3] =	wrdreg s4  }
0xaa: {  	[dreg:$0x4] =	wrdreg $0xC0  }
0xab: {  	_ =	task [dreg:s6], $0x5FFFF  }
0xac: {  	[dreg:$0x1] =	wrdreg $0xFFFFFFFF  }
0xad: {  	[dreg:$0x0] =	wrdreg $0x60  }
0xae: {  	[dreg:$0x2] =	wrdreg s24  }
0xaf: {  	[dreg:$0x3] =	wrdreg $0x0  }
0xb0: {  	[dreg:$0x4] =	wrdreg $0xA0000  }
0xb1: {  	[dreg:$0x5] =	wrdreg $0x9  }
0xb2: {  	_ =	task.clear_ibuf [dreg:s6], $0x6FFFF;
	_ =	strace $0x90000046  }
0xb3: {  	s29 =	simm.s32 $0x9;
	_ =	strace $0x80000048  }
0xb4: {  	_ =	swait.ge [sflag:s29], $0x1  }
0xb5: {  	[sflag:s29] =	ssyncadd.s32 $0xFFFFFFFF  }
0xb6: {  	_ =	strace $0x90000048  }
0xb7: {  	_ =	sfence  }
0xb8: {  	s30 =	sld [smem:$0x0];
	_ =	sdelay $0x2  }
0xb9: {  	s31 =	sshll.u32 s1, $0xD;
	s1 =	sshrl.u32 s1, $0x2  }
0xba: {  	s3 =	sand.u32 $0x4000, s31;
	s1 =	sadd.s32 s1, s30  }
0xbb: {  	s0 =	sor.u32 s3, s0;
	s1 =	sshll.u32 s1, $0x11  }
0xbc: {  	s0 =	sor.u32 s1, s0  }
0xbd: {  	s0 =	sadd.s32 $0x8F2B, s0  }
0xbe: {  	[sflag:s0] =	ssyncadd.remote.s32 $0x1  }
0xbf: {  	_ =	sfence.sel $0xFFFF  }
0xc0: {  	[dreg:$0x0] =	wrdreg $0xFFFFFFFF;
	(pc) =	sbr.abs _section_cstart, $3  }
0xc1: {  	[dreg:$0x1] =	wrdreg $0xFFFFFFFF  }
0xc2: {  	_ =	task.clear_ibuf [dreg:s6], $0x2FFFF;
	_ =	strace $0x9FFFFFFF  }
0xc3: {  	(tm) =	ssettm $0x7FFFFFFF  }
tec
execute0_lowered:
.L_overlay_start_1:
0x0: {  	(tag) =	ssettag $0x1  }
0x1: {  	s0 =	srdreg.scid;
	s10 =	stileid.u32  }
0x2: {  	s2 =	rddreg [dreg:$0x0];
	s1 =	simm.s32 $0x0;
	s3 =	sand.u32 $0x1, s0  }
0x3: {  	[smem:$0x7FF] =	sst s1;
	s5 =	smul.u32 $0x280, s10;
	s6 =	sadd.s32 $0x2FE00, s2  }
0x4: {  	s7 =	sadd.s32 $0x57E00, s2;
	s0 =	sshll.u32 s3, $0x4;
	s12 =	smul.u32 $0x140000, s3  }
0x5: {  	s25 =	ssub.s32 $0x2, s3;
	s15 =	smul.u32 $0x28000, s3;
	p0 =	seq.s32 s3, $0x0  }
0x6: {  	s0 =	sor.u32 s10, s0;
	s8 =	sshrl.u32 s25, $0x1;
	s9 =	sadd.s32 $0x80, s5  }
0x7: {  	s11 =	sadd.s32 $0x100, s5;
	s26 =	sadd.s32 $0x180, s5;
	s4 =	smul.u32 $0x6C0, s0  }
0x8: {  	s5 =	sadd.s32 $0x200, s5;
	s0 =	ssub.s32 s25, s8;
	s8 =	smul.u32 $0x14000, s10  }
0x9: {  	s10 =	smul.u32 $0x2800, s10;
	s13 =	sshll.u32 s9, $0x7;
	s9 =	sshll.u32 s9, $0x4  }
0xa: {  	s14 =	sshll.u32 s11, $0x7;
	s16 =	sshll.u32 s11, $0x4;
	s17 =	sshll.u32 s26, $0x7  }
0xb: {  	s18 =	sshll.u32 s26, $0x4;
	s26 =	sshll.u32 s5, $0x7;
	s5 =	sshll.u32 s5, $0x4  }
0xc: {  	s22 =	sadd.s32 s12, s13;
	s23 =	sadd.s32 s15, s9;
	s24 =	sadd.s32 s12, s14  }
0xd: {  	s0 =	smax.u32 s0, $0x1;
	s30 =	sadd.s32 s8, s12;
	s19 =	sadd.s32 s10, s15  }
0xe: {  	s3 =	sshrl.u32 s22, $0x4;
	s22 =	sadd.s32 s15, s18;
	s11 =	sshrl.u32 s30, $0x4  }
0xf: {  	s19 =	sshrl.u32 s19, $0x3;
	s3 =	sadd.s32 s6, s3;
	s20 =	sadd.s32 s6, s11  }
0x10: {  	s21 =	sadd.s32 s7, s19;
	s11 =	sshrl.u32 s23, $0x3;
	[dreg:$0x6] =	wrdreg s3  }
0x11: {  	s19 =	sshrl.u32 s24, $0x4;
	s23 =	sadd.s32 s15, s5;
	[dreg:$0x4] =	wrdreg s20  }
0x12: {  	[dreg:$0x5] =	wrdreg s21;
	s25 =	sadd.s32 s7, s11;
	s30 =	sadd.s32 s6, s19  }
0x13: {  	s11 =	sadd.s32 s15, s16;
	s19 =	sadd.s32 s12, s17;
	[dreg:$0x7] =	wrdreg s25  }
0x14: {  	s12 =	sadd.s32 s12, s26;
	s15 =	sadd.s32 $0xE00, s2;
	[dreg:$0x8] =	wrdreg s30  }
0x15: {  	s3 =	sshrl.u32 s11, $0x3;
	s11 =	sshrl.u32 s19, $0x4;
	s12 =	sshrl.u32 s12, $0x4  }
0x16: {  	s25 =	sshrl.u32 s8, $0x1;
	s20 =	sadd.s32 s6, s11;
	s11 =	rddreg [dreg:$0x1]  }
0x17: {  	s3 =	sadd.s32 s7, s3;
	s21 =	sadd.s32 s6, s12;
	s12 =	rddreg [dreg:$0x2]  }
0x18: {  	s30 =	sadd.s32 $0xC00, s2;
	s8 =	sshrl.u32 s13, $0x1;
	[dreg:$0x9] =	wrdreg s3  }
0x19: {  	s13 =	sshrl.u32 s14, $0x1;
	s14 =	sshrl.u32 s17, $0x1;
	[dreg:$0xa] =	wrdreg s20  }
0x1a: {  	s17 =	sshrl.u32 s26, $0x1;
	s6 =	sshrl.u32 s23, $0x3;
	[dreg:$0xb] =	wrdreg s21  }
0x1b: {  	s3 =	sshrl.u32 s22, $0x3;
	s24 =	sadd.s32 s7, s6;
	s19 =	sadd.s32 s25, s11  }
0x1c: {  	s20 =	sadd.s32 s10, s12;
	s21 =	sadd.s32 s8, s11;
	s22 =	sadd.s32 s9, s12  }
0x1d: {  	s23 =	sadd.s32 s13, s11;
	s25 =	sadd.s32 s14, s11;
	s26 =	sadd.s32 s18, s12  }
0x1e: {  	s28 =	sadd.s32 s17, s11;
	s29 =	sadd.s32 s5, s12;
	s10 =	simm.s32 $0x35  }
0x1f: {  	s5 =	simm.s32 $0xC800;
	s6 =	simm.s32 $0x80;
	s8 =	simm.s32 $0x15400  }
0x20: {  	s9 =	simm.s32 $0x2;
	s3 =	sadd.s32 s7, s3;
	[dreg:$0xd] =	wrdreg s24  }
0x21: {  	s13 =	simm.s32 $0x0;
	s7 =	sadd.s32 $0x14A00, s2;
	[dreg:$0xc] =	wrdreg s3  }
0x22: {  	s24 =	sadd.s32 s16, s12;
	_ =	strace $0x80000047;
	[dreg:$0xe] =	wrdreg s30  }
0x23: {  	s3 =	sadd.s32 s4, s2;
	s2 =	sadd.s32 $0xD00, s2;
	[dreg:$0xf] =	wrdreg s7  }
0x24: {  	s10 =	simm.s32 @!p0 $0x18;
	s4 =	simm.s32 $0x17400;
	[dreg:$0x10] =	wrdreg s2  }
0x25: {  	s30 =	sadd.s32 $0x22600, s3;
	s31 =	sadd.s32 $0x14E00, s3;
	s2 =	simm.s32 $0x13400  }
0x26: {  	s3 =	simm.s32 $0x3;
	s7 =	simm.s32 $0x1;
	[dreg:$0x11] =	wrdreg s30  }
.LBB2_1:
0x27: {  	s14 =	rddreg [dreg:$0xf]  }
0x28: {  	[tilespmem:s2], [sflag:$0x3] =	stream.linear.gather [hbm4b:s14+s1], $0x2000, $0x38;
	[tilespmem:$0x17C00] =	vst v63  }
0x29: {  	_ =	swait.ge [sflag:s3], $0x2000  }
0x2a: {  	[sflag:s3] =	ssyncset.done $0x0  }
0x2b: {  	s30 =	rddreg [dreg:$0x10];
	[sflag:s3] =	ssyncadd.s32 $0xFFFFE000  }
0x2c: {  	[tilespmem:s4], [sflag:$0x3] =	stream.linear.gather [hbm4b:s30+s1], $0x800, $0x38;
	[tilespmem:$0x17C00] =	vst v63  }
0x2d: {  	_ =	swait.ge [sflag:s3], $0x800  }
0x2e: {  	[sflag:s3] =	ssyncset.done $0x0  }
0x2f: {  	[sflag:s3] =	ssyncadd.s32 $0xFFFFF800  }
0x30: {  	[spmem:s19] =	stream.linear.scatter [tilespmem:s2], [sflag:$0x3], $0x2000, $0x38;
	[tilespmem:$0x17C00] =	vst v63  }
0x31: {  	_ =	swait.ge [sflag:s3], $0x2000  }
0x32: {  	[sflag:s3] =	ssyncset.done $0x0  }
0x33: {  	[sflag:s3] =	ssyncadd.s32 $0xFFFFE000  }
0x34: {  	[spmem:s20] =	stream.linear.scatter [tilespmem:s4], [sflag:$0x3], $0x800, $0x38;
	[tilespmem:$0x17C00] =	vst v63  }
0x35: {  	_ =	swait.ge [sflag:s3], $0x800  }
0x36: {  	[sflag:s3] =	ssyncset.done $0x0  }
0x37: {  	[sflag:s3] =	ssyncadd.s32 $0xFFFFF800  }
0x38: {  	[spmem:s21] =	stream.linear.scatter [tilespmem:s2], [sflag:$0x3], $0x2000, $0x38;
	[tilespmem:$0x17C00] =	vst v63  }
0x39: {  	_ =	swait.ge [sflag:s3], $0x2000  }
0x3a: {  	[sflag:s3] =	ssyncset.done $0x0  }
0x3b: {  	[sflag:s3] =	ssyncadd.s32 $0xFFFFE000  }
0x3c: {  	[spmem:s22] =	stream.linear.scatter [tilespmem:s4], [sflag:$0x3], $0x800, $0x38;
	[tilespmem:$0x17C00] =	vst v63  }
0x3d: {  	_ =	swait.ge [sflag:s3], $0x800  }
0x3e: {  	[sflag:s3] =	ssyncset.done $0x0  }
0x3f: {  	[sflag:s3] =	ssyncadd.s32 $0xFFFFF800  }
0x40: {  	[spmem:s23] =	stream.linear.scatter [tilespmem:s2], [sflag:$0x3], $0x2000, $0x38;
	[tilespmem:$0x17C00] =	vst v63  }
0x41: {  	_ =	swait.ge [sflag:s3], $0x2000  }
0x42: {  	[sflag:s3] =	ssyncset.done $0x0  }
0x43: {  	[sflag:s3] =	ssyncadd.s32 $0xFFFFE000  }
0x44: {  	[spmem:s24] =	stream.linear.scatter [tilespmem:s4], [sflag:$0x3], $0x800, $0x38;
	[tilespmem:$0x17C00] =	vst v63  }
0x45: {  	_ =	swait.ge [sflag:s3], $0x800  }
0x46: {  	[sflag:s3] =	ssyncset.done $0x0  }
0x47: {  	[sflag:s3] =	ssyncadd.s32 $0xFFFFF800  }
0x48: {  	[spmem:s25] =	stream.linear.scatter [tilespmem:s2], [sflag:$0x3], $0x2000, $0x38;
	[tilespmem:$0x17C00] =	vst v63  }
0x49: {  	_ =	swait.ge [sflag:s3], $0x2000  }
0x4a: {  	[sflag:s3] =	ssyncset.done $0x0  }
0x4b: {  	[sflag:s3] =	ssyncadd.s32 $0xFFFFE000  }
0x4c: {  	[spmem:s26] =	stream.linear.scatter [tilespmem:s4], [sflag:$0x3], $0x800, $0x38;
	[tilespmem:$0x17C00] =	vst v63  }
0x4d: {  	_ =	swait.ge [sflag:s3], $0x800  }
0x4e: {  	[sflag:s3] =	ssyncset.done $0x0  }
0x4f: {  	[sflag:s3] =	ssyncadd.s32 $0xFFFFF800  }
0x50: {  	[spmem:s28] =	stream.linear.scatter [tilespmem:s2], [sflag:$0x3], $0x2000, $0x38;
	[tilespmem:$0x17C00] =	vst v63  }
0x51: {  	_ =	swait.ge [sflag:s3], $0x2000  }
0x52: {  	[sflag:s3] =	ssyncset.done $0x0  }
0x53: {  	[sflag:s3] =	ssyncadd.s32 $0xFFFFE000  }
0x54: {  	[spmem:s29] =	stream.linear.scatter [tilespmem:s4], [sflag:$0x3], $0x800, $0x38;
	[tilespmem:$0x17C00] =	vst v63  }
0x55: {  	_ =	swait.ge [sflag:s3], $0x800  }
0x56: {  	[sflag:s3] =	ssyncset.done $0x0  }
0x57: {  	s16 =	rddreg [dreg:$0xe];
	[sflag:s3] =	ssyncadd.s32 $0xFFFFF800  }
0x58: {  	[tilespmem:s4], [sflag:$0x3] =	stream.linear.gather [hbm4b:s16+s1], $0x800, $0x38;
	[tilespmem:$0x17C00] =	vst v63  }
0x59: {  	_ =	swait.ge [sflag:s3], $0x800  }
0x5a: {  	[sflag:s3] =	ssyncset.done $0x0  }
0x5b: {  	s17 =	rddreg [dreg:$0x11];
	[sflag:s3] =	ssyncadd.s32 $0xFFFFF800  }
0x5c: {  	[tilespmem:s5], [sflag:$0x3] =	stream.linear.gather [hbm4b:s17+s1], $0x3600, $0x38;
	[tilespmem:$0x17C00] =	vst v63  }
0x5d: {  	_ =	swait.ge [sflag:s3], $0x3600  }
0x5e: {  	[sflag:s3] =	ssyncset.done $0x0  }
0x5f: {  	s18 =	simm.s32 $0xFE00;
	[sflag:s3] =	ssyncadd.s32 $0xFFFFCA00  }
0x60: {  	[tilespmem:s18], [sflag:$0x3] =	stream.linear.gather [hbm4b:s31+s1], $0x3600, $0x38;
	[tilespmem:$0x17C00] =	vst v63  }
0x61: {  	_ =	swait.ge [sflag:s3], $0x3600  }
0x62: {  	[sflag:s3] =	ssyncset.done $0x0  }
0x63: {  	[sflag:s3] =	ssyncadd.s32 $0xFFFFCA00  }
0x64: {  	[bflag:$0x0] =	sbarrier.arrive $0xFFFF  }
0x65: {  	[tilespmem:s2], [sflag:$0x1] =	stream.indirect.gather [hbm4b:s15+s6], $0x40, s5, s6, $0xb8;
	[tilespmem:$0x17C00] =	vst v63  }
0x66: {  	_ =	swait.ge [sflag:s7], $0x2000  }
0x67: {  	[sflag:s7] =	ssyncset.done $0x0  }
0x68: {  	s14 =	simm.s32 $0xC880;
	[sflag:s7] =	ssyncadd.s32 $0xFFFFE000  }
0x69: {  	[tilespmem:s8], [sflag:$0x2] =	stream.indirect.gather [hbm4b:s15+s6], $0x40, s14, s6, $0xb8;
	[tilespmem:$0x17C00] =	vst v63  }
0x6a: {  	s16 =	simm.s32 $0xFE00  }
0x6b: {  	[spmem:s11] =	stream.indirect.scatter.add.bf16 [tilespmem:s2], [sflag:$0x3], $0x40, s16, s6, $0xb8;
	[tilespmem:$0x17C00] =	vst v63  }
0x6c: {  	_ =	swait.ge [sflag:s3], $0x2000  }
0x6d: {  	[sflag:s3] =	ssyncset.done $0x0  }
0x6e: {  	[sflag:s3] =	ssyncadd.s32 $0xFFFFE000  }
0x6f: {  	[spmem:s12] =	stream.indirect.scatter.add.f32 [tilespmem:s4], [sflag:$0x3], $0x10, s16, s6, $0xb8;
	[tilespmem:$0x17C00] =	vst v63  }
0x70: {  	_ =	swait.ge [sflag:s3], $0x800  }
0x71: {  	[sflag:s3] =	ssyncset.done $0x0  }
0x72: {  	[sflag:s3] =	ssyncadd.s32 $0xFFFFF800  }
0x73: {  	_ =	swait.ge [sflag:s9], $0x2000  }
0x74: {  	[sflag:s9] =	ssyncset.done $0x0  }
0x75: {  	s30 =	simm.s32 $0xC900;
	[sflag:s9] =	ssyncadd.s32 $0xFFFFE000  }
0x76: {  	[tilespmem:s2], [sflag:$0x1] =	stream.indirect.gather [hbm4b:s15+s6], $0x40, s30, s6, $0xb8;
	[tilespmem:$0x17C00] =	vst v63  }
0x77: {  	s16 =	simm.s32 $0xFE80  }
0x78: {  	[spmem:s11] =	stream.indirect.scatter.add.bf16 [tilespmem:s8], [sflag:$0x3], $0x40, s16, s6, $0xb8;
	[tilespmem:$0x17C00] =	vst v63  }
0x79: {  	p0 =	sne.s32 s10, $0x1;
	_ =	swait.ge [sflag:s3], $0x2000  }
.Ltmp0:
0x7a: {  	[sflag:s3] =	ssyncset.done $0x0;
	(pc) =	sbr.rel @!p0 .LBB2_3-.Ltmp0, $4  }
0x7b: {  	[sflag:s3] =	ssyncadd.s32 $0xFFFFE000  }
0x7c: {  	[spmem:s12] =	stream.indirect.scatter.add.f32 [tilespmem:s4], [sflag:$0x3], $0x10, s16, s6, $0xb8;
	[tilespmem:$0x17C00] =	vst v63  }
0x7d: {  	_ =	swait.ge [sflag:s3], $0x800  }
0x7e: {  	s17 =	simm.s32 $0xFE80;
	s18 =	sadd.s32 $0xFFFFFFFF, s10;
	[sflag:s3] =	ssyncset.done $0x0  }
.LBB2_2:
0x7f: {  	s17 =	smov.u32 s16  }
0x80: {  	s16 =	sadd.s32 $0x100, s16;
	s14 =	sadd.s32 $0x100, s14;
	[sflag:s3] =	ssyncadd.s32 $0xFFFFF800  }
0x81: {  	p0 =	sne.s32 s18, $0x1;
	s18 =	sadd.s32 $0xFFFFFFFF, s18;
	_ =	swait.ge [sflag:s7], $0x2000  }
0x82: {  	[sflag:s7] =	ssyncset.done $0x0  }
0x83: {  	[sflag:s7] =	ssyncadd.s32 $0xFFFFE000  }
0x84: {  	[tilespmem:s8], [sflag:$0x2] =	stream.indirect.gather [hbm4b:s15+s6], $0x40, s14, s6, $0xb8;
	[tilespmem:$0x17C00] =	vst v63  }
0x85: {  	s30 =	sadd.s32 $0xFFFFFF80, s16  }
0x86: {  	[spmem:s11] =	stream.indirect.scatter.add.bf16 [tilespmem:s2], [sflag:$0x3], $0x40, s30, s6, $0xb8;
	[tilespmem:$0x17C00] =	vst v63  }
0x87: {  	_ =	swait.ge [sflag:s3], $0x2000  }
0x88: {  	[sflag:s3] =	ssyncset.done $0x0  }
0x89: {  	[sflag:s3] =	ssyncadd.s32 $0xFFFFE000  }
0x8a: {  	[spmem:s12] =	stream.indirect.scatter.add.f32 [tilespmem:s4], [sflag:$0x3], $0x10, s30, s6, $0xb8;
	[tilespmem:$0x17C00] =	vst v63  }
0x8b: {  	_ =	swait.ge [sflag:s3], $0x800  }
0x8c: {  	[sflag:s3] =	ssyncset.done $0x0  }
0x8d: {  	[sflag:s3] =	ssyncadd.s32 $0xFFFFF800  }
0x8e: {  	_ =	swait.ge [sflag:s9], $0x2000  }
0x8f: {  	[sflag:s9] =	ssyncset.done $0x0  }
0x90: {  	s30 =	sadd.s32 $0x80, s14;
	[sflag:s9] =	ssyncadd.s32 $0xFFFFE000  }
0x91: {  	[tilespmem:s2], [sflag:$0x1] =	stream.indirect.gather [hbm4b:s15+s6], $0x40, s30, s6, $0xb8;
	[tilespmem:$0x17C00] =	vst v63  }
0x92: {  	_ = 	snop  }
0x93: {  	[spmem:s11] =	stream.indirect.scatter.add.bf16 [tilespmem:s8], [sflag:$0x3], $0x40, s16, s6, $0xb8;
	[tilespmem:$0x17C00] =	vst v63  }
0x94: {  	_ =	swait.ge [sflag:s3], $0x2000  }
.Ltmp1:
0x95: {  	[sflag:s3] =	ssyncset.done $0x0;
	(pc) =	sbr.rel @p0 .LBB2_2-.Ltmp1, $4  }
0x96: {  	[sflag:s3] =	ssyncadd.s32 $0xFFFFE000  }
0x97: {  	[spmem:s12] =	stream.indirect.scatter.add.f32 [tilespmem:s4], [sflag:$0x3], $0x10, s16, s6, $0xb8;
	[tilespmem:$0x17C00] =	vst v63  }
0x98: {  	_ =	swait.ge [sflag:s3], $0x800  }
0x99: {  	[sflag:s3] =	ssyncset.done $0x0  }
.LBB2_3:
0x9a: {  	[sflag:s3] =	ssyncadd.s32 $0xFFFFF800  }
0x9b: {  	_ =	swait.ge [sflag:s7], $0x2000  }
0x9c: {  	[sflag:s7] =	ssyncset.done $0x0  }
0x9d: {  	s14 =	sadd.s32 $0x100, s14;
	[sflag:s7] =	ssyncadd.s32 $0xFFFFE000  }
0x9e: {  	[tilespmem:s8], [sflag:$0x2] =	stream.indirect.gather [hbm4b:s15+s6], $0x40, s14, s6, $0xb8;
	[tilespmem:$0x17C00] =	vst v63  }
0x9f: {  	s30 =	sadd.s32 $0x80, s17  }
0xa0: {  	[spmem:s11] =	stream.indirect.scatter.add.bf16 [tilespmem:s2], [sflag:$0x3], $0x40, s30, s6, $0xb8;
	[tilespmem:$0x17C00] =	vst v63  }
0xa1: {  	_ =	swait.ge [sflag:s3], $0x2000  }
0xa2: {  	[sflag:s3] =	ssyncset.done $0x0  }
0xa3: {  	[sflag:s3] =	ssyncadd.s32 $0xFFFFE000  }
0xa4: {  	[spmem:s12] =	stream.indirect.scatter.add.f32 [tilespmem:s4], [sflag:$0x3], $0x10, s30, s6, $0xb8;
	[tilespmem:$0x17C00] =	vst v63  }
0xa5: {  	_ =	swait.ge [sflag:s3], $0x800  }
0xa6: {  	[sflag:s3] =	ssyncset.done $0x0  }
0xa7: {  	[sflag:s3] =	ssyncadd.s32 $0xFFFFF800  }
0xa8: {  	_ =	swait.ge [sflag:s9], $0x2000  }
0xa9: {  	[sflag:s9] =	ssyncset.done $0x0  }
0xaa: {  	s17 =	sadd.s32 $0x100, s16;
	[sflag:s9] =	ssyncadd.s32 $0xFFFFE000  }
0xab: {  	[spmem:s11] =	stream.indirect.scatter.add.bf16 [tilespmem:s8], [sflag:$0x3], $0x40, s17, s6, $0xb8;
	[tilespmem:$0x17C00] =	vst v63  }
0xac: {  	_ =	swait.ge [sflag:s3], $0x2000  }
0xad: {  	[sflag:s3] =	ssyncset.done $0x0  }
0xae: {  	[sflag:s3] =	ssyncadd.s32 $0xFFFFE000  }
0xaf: {  	[spmem:s12] =	stream.indirect.scatter.add.f32 [tilespmem:s4], [sflag:$0x3], $0x10, s17, s6, $0xb8;
	[tilespmem:$0x17C00] =	vst v63  }
0xb0: {  	_ =	swait.ge [sflag:s3], $0x800  }
0xb1: {  	[sflag:s3] =	ssyncset.done $0x0  }
0xb2: {  	[sflag:s3] =	ssyncadd.s32 $0xFFFFF800  }
0xb3: {  	[bflag:$0x0] =	sbarrier.arrive $0xFFFF  }
0xb4: {  	[tilespmem:s2], [sflag:$0x3] =	stream.linear.gather [spmem:s19], $0x2000, $0x38;
	[tilespmem:$0x17C00] =	vst v63  }
0xb5: {  	_ =	swait.ge [sflag:s3], $0x2000  }
0xb6: {  	[sflag:s3] =	ssyncset.done $0x0  }
0xb7: {  	s18 =	rddreg [dreg:$0x4];
	[sflag:s3] =	ssyncadd.s32 $0xFFFFE000  }
0xb8: {  	[hbm4b:s18+s1] =	stream.linear.scatter [tilespmem:s2], [sflag:$0x3], $0x2000, $0x38;
	[tilespmem:$0x17C00] =	vst v63  }
0xb9: {  	_ =	swait.ge [sflag:s3], $0x2000  }
0xba: {  	[sflag:s3] =	ssyncset.done $0x0  }
0xbb: {  	[sflag:s3] =	ssyncadd.s32 $0xFFFFE000  }
0xbc: {  	[tilespmem:s4], [sflag:$0x3] =	stream.linear.gather [spmem:s20], $0x800, $0x38;
	[tilespmem:$0x17C00] =	vst v63  }
0xbd: {  	_ =	swait.ge [sflag:s3], $0x800  }
0xbe: {  	[sflag:s3] =	ssyncset.done $0x0  }
0xbf: {  	s30 =	rddreg [dreg:$0x5];
	[sflag:s3] =	ssyncadd.s32 $0xFFFFF800  }
0xc0: {  	[hbm4b:s30+s1] =	stream.linear.scatter [tilespmem:s4], [sflag:$0x3], $0x800, $0x38;
	[tilespmem:$0x17C00] =	vst v63  }
0xc1: {  	_ =	swait.ge [sflag:s3], $0x800  }
0xc2: {  	[sflag:s3] =	ssyncset.done $0x0  }
0xc3: {  	[sflag:s3] =	ssyncadd.s32 $0xFFFFF800  }
0xc4: {  	[tilespmem:s2], [sflag:$0x3] =	stream.linear.gather [spmem:s21], $0x2000, $0x38;
	[tilespmem:$0x17C00] =	vst v63  }
0xc5: {  	_ =	swait.ge [sflag:s3], $0x2000  }
0xc6: {  	[sflag:s3] =	ssyncset.done $0x0  }
0xc7: {  	s16 =	rddreg [dreg:$0x6];
	[sflag:s3] =	ssyncadd.s32 $0xFFFFE000  }
0xc8: {  	[hbm4b:s16+s1] =	stream.linear.scatter [tilespmem:s2], [sflag:$0x3], $0x2000, $0x38;
	[tilespmem:$0x17C00] =	vst v63  }
0xc9: {  	_ =	swait.ge [sflag:s3], $0x2000  }
0xca: {  	[sflag:s3] =	ssyncset.done $0x0  }
0xcb: {  	[sflag:s3] =	ssyncadd.s32 $0xFFFFE000  }
0xcc: {  	[tilespmem:s4], [sflag:$0x3] =	stream.linear.gather [spmem:s22], $0x800, $0x38;
	[tilespmem:$0x17C00] =	vst v63  }
0xcd: {  	_ =	swait.ge [sflag:s3], $0x800  }
0xce: {  	[sflag:s3] =	ssyncset.done $0x0  }
0xcf: {  	s17 =	rddreg [dreg:$0x7];
	[sflag:s3] =	ssyncadd.s32 $0xFFFFF800  }
0xd0: {  	[hbm4b:s17+s1] =	stream.linear.scatter [tilespmem:s4], [sflag:$0x3], $0x800, $0x38;
	[tilespmem:$0x17C00] =	vst v63  }
0xd1: {  	_ =	swait.ge [sflag:s3], $0x800  }
0xd2: {  	[sflag:s3] =	ssyncset.done $0x0  }
0xd3: {  	[sflag:s3] =	ssyncadd.s32 $0xFFFFF800  }
0xd4: {  	[tilespmem:s2], [sflag:$0x3] =	stream.linear.gather [spmem:s23], $0x2000, $0x38;
	[tilespmem:$0x17C00] =	vst v63  }
0xd5: {  	_ =	swait.ge [sflag:s3], $0x2000  }
0xd6: {  	[sflag:s3] =	ssyncset.done $0x0  }
0xd7: {  	s18 =	rddreg [dreg:$0x8];
	[sflag:s3] =	ssyncadd.s32 $0xFFFFE000  }
0xd8: {  	[hbm4b:s18+s1] =	stream.linear.scatter [tilespmem:s2], [sflag:$0x3], $0x2000, $0x38;
	[tilespmem:$0x17C00] =	vst v63  }
0xd9: {  	_ =	swait.ge [sflag:s3], $0x2000  }
0xda: {  	[sflag:s3] =	ssyncset.done $0x0  }
0xdb: {  	[sflag:s3] =	ssyncadd.s32 $0xFFFFE000  }
0xdc: {  	[tilespmem:s4], [sflag:$0x3] =	stream.linear.gather [spmem:s24], $0x800, $0x38;
	[tilespmem:$0x17C00] =	vst v63  }
0xdd: {  	_ =	swait.ge [sflag:s3], $0x800  }
0xde: {  	[sflag:s3] =	ssyncset.done $0x0  }
0xdf: {  	s30 =	rddreg [dreg:$0x9];
	[sflag:s3] =	ssyncadd.s32 $0xFFFFF800  }
0xe0: {  	[hbm4b:s30+s1] =	stream.linear.scatter [tilespmem:s4], [sflag:$0x3], $0x800, $0x38;
	[tilespmem:$0x17C00] =	vst v63  }
0xe1: {  	_ =	swait.ge [sflag:s3], $0x800  }
0xe2: {  	[sflag:s3] =	ssyncset.done $0x0  }
0xe3: {  	[sflag:s3] =	ssyncadd.s32 $0xFFFFF800  }
0xe4: {  	[tilespmem:s2], [sflag:$0x3] =	stream.linear.gather [spmem:s25], $0x2000, $0x38;
	[tilespmem:$0x17C00] =	vst v63  }
0xe5: {  	_ =	swait.ge [sflag:s3], $0x2000  }
0xe6: {  	[sflag:s3] =	ssyncset.done $0x0  }
0xe7: {  	s16 =	rddreg [dreg:$0xa];
	[sflag:s3] =	ssyncadd.s32 $0xFFFFE000  }
0xe8: {  	[hbm4b:s16+s1] =	stream.linear.scatter [tilespmem:s2], [sflag:$0x3], $0x2000, $0x38;
	[tilespmem:$0x17C00] =	vst v63  }
0xe9: {  	_ =	swait.ge [sflag:s3], $0x2000  }
0xea: {  	[sflag:s3] =	ssyncset.done $0x0  }
0xeb: {  	[sflag:s3] =	ssyncadd.s32 $0xFFFFE000  }
0xec: {  	[tilespmem:s4], [sflag:$0x3] =	stream.linear.gather [spmem:s26], $0x800, $0x38;
	[tilespmem:$0x17C00] =	vst v63  }
0xed: {  	_ =	swait.ge [sflag:s3], $0x800  }
0xee: {  	[sflag:s3] =	ssyncset.done $0x0  }
0xef: {  	s17 =	rddreg [dreg:$0xc];
	[sflag:s3] =	ssyncadd.s32 $0xFFFFF800  }
0xf0: {  	[hbm4b:s17+s1] =	stream.linear.scatter [tilespmem:s4], [sflag:$0x3], $0x800, $0x38;
	[tilespmem:$0x17C00] =	vst v63  }
0xf1: {  	_ =	swait.ge [sflag:s3], $0x800  }
0xf2: {  	[sflag:s3] =	ssyncset.done $0x0  }
0xf3: {  	[sflag:s3] =	ssyncadd.s32 $0xFFFFF800  }
0xf4: {  	[tilespmem:s2], [sflag:$0x3] =	stream.linear.gather [spmem:s28], $0x2000, $0x38;
	[tilespmem:$0x17C00] =	vst v63  }
0xf5: {  	_ =	swait.ge [sflag:s3], $0x2000  }
0xf6: {  	[sflag:s3] =	ssyncset.done $0x0  }
0xf7: {  	s18 =	rddreg [dreg:$0xb];
	[sflag:s3] =	ssyncadd.s32 $0xFFFFE000  }
0xf8: {  	[hbm4b:s18+s1] =	stream.linear.scatter [tilespmem:s2], [sflag:$0x3], $0x2000, $0x38;
	[tilespmem:$0x17C00] =	vst v63  }
0xf9: {  	_ =	swait.ge [sflag:s3], $0x2000  }
0xfa: {  	[sflag:s3] =	ssyncset.done $0x0  }
0xfb: {  	[sflag:s3] =	ssyncadd.s32 $0xFFFFE000  }
0xfc: {  	[tilespmem:s4], [sflag:$0x3] =	stream.linear.gather [spmem:s29], $0x800, $0x38;
	[tilespmem:$0x17C00] =	vst v63  }
0xfd: {  	s13 =	sadd.s32 $0x1, s13;
	_ =	swait.ge [sflag:s3], $0x800  }
0xfe: {  	p0 =	sne.s32 s13, s0;
	[sflag:s3] =	ssyncset.done $0x0  }
.Ltmp2:
0xff: {  	s30 =	rddreg [dreg:$0xd];
	[sflag:s3] =	ssyncadd.s32 $0xFFFFF800;
	(pc) =	sbr.rel @p0 .LBB2_1-.Ltmp2, $4  }
0x100: {  	[hbm4b:s30+s1] =	stream.linear.scatter [tilespmem:s4], [sflag:$0x3], $0x800, $0x38;
	[tilespmem:$0x17C00] =	vst v63  }
0x101: {  	_ =	swait.ge [sflag:s3], $0x800  }
0x102: {  	[sflag:s3] =	ssyncset.done $0x0  }
0x103: {  	[sflag:s3] =	ssyncadd.s32 $0xFFFFF800  }
0x104: {  	_ =	sfence.sel $0x180000  }
0x105: {  	[bflag:$0x0] =	sbarrier.arrive $0xFFFF  }
0x106: {  	_ =	strace $0x90000047  }
0x107: {  	s0 =	stileid.u32;
	[bflag:$0x2] =	sbarrier.arrive $0xFFFF  }
0x108: {  	p0 =	sne.s32 s0, $0x0;
	s0 =	rddreg [dreg:$0x3]  }
0x109: {  	s0 =	sadd.s32 @!p0 $0x100000, s0  }
0x10a: {  	[sflag:s0] =	ssyncadd.tile.s32 @!p0 $0x1;
	_ =	shalt  }
.Lfunc_end2:
_tile_overlayer_lowered:
.L_overlay_start_2:
0x10b: {  	(tag) =	ssettag $0x2  }
0x10c: {  	s0 =	rddreg [dreg:$0x0];
	s2 =	stileid.u32  }
0x10d: {  	s1 =	rddreg [dreg:$0x1];
	p0 =	sne.s32 s2, $0x0  }
0x10e: {  	s3 =	rddreg [dreg:$0x2];
	[bflag:$0x3] =	sbarrier.arrive $0xFFFF;
	s2 =	simm.s32 @!p0 $0x1C03  }
0x10f: {  	[timem:s3], [sflag:s2] =	dma.local @!p0 [hbm:s0], s1  }
0x110: {  	s0 =	simm.s32 @!p0 $0x3  }
0x111: {  	_ =	swait.ge @!p0 [sflag:s0], s1  }
0x112: {  	s1 =	ssub.s32 @!p0 $0x0, s1;
	[sflag:s0] =	ssyncset.done @!p0 $0x0  }
0x113: {  	[sflag:s0] =	ssyncadd.s32 @!p0 s1  }
0x114: {  	[bflag:$0x3] =	sbarrier.arrive $0xFFFF  }
0x115: {  	_ =	shalt  }

</sc_bundles>
